<compile_context>
chip_gen: v7x
topology: tpu7x:2x2x1
jax: 0.10.2.dev20260603
libtpu: 0.0.44.dev20260713+nightly
codegen_flags: <defaults>
</compile_context>

<pallas_src>
import functools

import jax
import jax.numpy as jnp
from jax import lax
from jax.experimental import pallas as pl
from jax.experimental.pallas import tpu as pltpu
from jax.experimental.pallas import tpu_sc as plsc

_NC = 2
_NS = 16
_E_CHUNK = 40


def _proj_body(eat_ref, we_ref, be_ref, o_ref):
    acc = lax.dot_general(
        eat_ref[...], we_ref[...], (((0,), (0,)), ((), ())),
        preferred_element_type=jnp.float32,
        precision=lax.Precision.DEFAULT,
    )
    o_ref[...] = acc + be_ref[...]


def _project(edge_attr_t, We, be):
    K, E = edge_attr_t.shape
    D = We.shape[1]
    BLK = 12800
    return pl.pallas_call(
        _proj_body,
        grid=(E // BLK,),
        in_specs=[
            pl.BlockSpec((K, BLK), lambda i: (0, i)),
            pl.BlockSpec((K, D), lambda i: (0, 0)),
            pl.BlockSpec((D,), lambda i: (0,)),
        ],
        out_specs=pl.BlockSpec((BLK, D), lambda i: (i, 0)),
        out_shape=jax.ShapeDtypeStruct((E, D), jnp.float32),
    )(edge_attr_t, We, be)


_NBUF = 2
_NDST = 4


def _sc_aggregate(x, src3, dst, e):
    N, D = x.shape
    e_per_w = src3.shape[1]
    n_chunks = e_per_w // _E_CHUNK
    K = _E_CHUNK
    ZROWS = 128
    rows_per_tile = -(-N // (_NS * ZROWS)) * ZROWS
    NP = _NS * rows_per_tile
    BROWS = _NBUF * K

    mesh = plsc.VectorSubcoreMesh(core_axis_name="c", subcore_axis_name="s")

    @functools.partial(
        pl.kernel,
        out_type=jax.ShapeDtypeStruct((_NC, NP, D), jnp.float32),
        mesh=mesh,
        scratch_types=dict(
            aggr_sh=pltpu.VMEM_SHARED((NP, D), jnp.float32),
            src_all=pltpu.VMEM((e_per_w,), jnp.int32),
            dst_v=pltpu.VMEM((_NDST, K), jnp.int32),
            e_v=pltpu.VMEM((BROWS, D), jnp.float32),
            xg_v=pltpu.VMEM((BROWS, D), jnp.float32),
            m_v=pltpu.VMEM((BROWS, D), jnp.float32),
            sem_in=pltpu.SemaphoreType.DMA((_NBUF,)),
            sem_sc=pltpu.SemaphoreType.DMA((_NBUF,)),
        ),
    )
    def k(x_hbm, src3_hbm, dst_hbm, e_hbm, out_hbm,
          aggr_sh, src_all, dst_v, e_v, xg_v, m_v, sem_in, sem_sc):
        cid = lax.axis_index("c")
        sid = lax.axis_index("s")
        wid = cid * _NS + sid

        pltpu.sync_copy(src3_hbm.at[wid], src_all)

        zero = jnp.zeros((16,), jnp.float32)

        def zrow(r, carry):
            for j in range(D // 16):
                m_v[r, pl.ds(j * 16, 16)] = zero
            return carry

        lax.fori_loop(0, BROWS, zrow, 0)
        r0 = sid * rows_per_tile
        done = 0
        while done < rows_per_tile:
            n = min(BROWS, rows_per_tile - done)
            pltpu.sync_copy(m_v.at[pl.ds(0, n), :],
                            aggr_sh.at[pl.ds(r0 + done, n), :])
            done += n
        plsc.subcore_barrier()

        def e_slab(b):
            return e_v.at[pl.ds(b * K, K), :]

        def xg_slab(b):
            return xg_v.at[pl.ds(b * K, K), :]

        def m_slab(b):
            return m_v.at[pl.ds(b * K, K), :]

        def issue_in(ci, b):
            base = pl.multiple_of(wid * e_per_w + ci * K, 8)
            off = pl.multiple_of(ci * K, 8)
            pltpu.async_copy(e_hbm.at[pl.ds(base, K), :], e_slab(b),
                             sem_in.at[b])
            pltpu.async_copy(x_hbm.at[src_all.at[pl.ds(off, K)]], xg_slab(b),
                             sem_in.at[b])
            pltpu.async_copy(dst_hbm.at[pl.ds(base, K)],
                             dst_v.at[lax.rem(ci, _NDST)], sem_in.at[b])

        def wait_in(ci, b):
            base = pl.multiple_of(wid * e_per_w + ci * K, 8)
            off = pl.multiple_of(ci * K, 8)
            pltpu.make_async_copy(e_hbm.at[pl.ds(base, K), :], e_slab(b),
                                  sem_in.at[b]).wait()
            pltpu.make_async_copy(x_hbm.at[src_all.at[pl.ds(off, K)]],
                                  xg_slab(b), sem_in.at[b]).wait()
            pltpu.make_async_copy(dst_hbm.at[pl.ds(base, K)],
                                  dst_v.at[lax.rem(ci, _NDST)],
                                  sem_in.at[b]).wait()

        def issue_scatter(ci, b):
            pltpu.async_copy(m_slab(b), aggr_sh.at[dst_v.at[lax.rem(ci, _NDST)]],
                             sem_sc.at[b], add=True)

        def wait_scatter(b):
            pltpu.make_async_copy(m_slab(b), aggr_sh.at[dst_v.at[0]],
                                  sem_sc.at[b]).wait()

        def compute(b):
            def row(r, carry):
                rr = b * K + r
                for j in range(D // 16):
                    a = xg_v[rr, pl.ds(j * 16, 16)]
                    bb = e_v[rr, pl.ds(j * 16, 16)]
                    m_v[rr, pl.ds(j * 16, 16)] = jnp.maximum(a + bb, 0.0)
                return carry

            lax.fori_loop(0, K, row, 0)

        for b in range(_NBUF):
            issue_in(b, b)

        n_groups = n_chunks // _NBUF

        def group(gi, carry):
            for b in range(_NBUF):
                ci = gi * _NBUF + b
                wait_in(ci, b)

                @pl.when(gi > 0)
                def _():
                    wait_scatter(b)

                compute(b)
                issue_scatter(ci, b)
                nci = ci + _NBUF

                @pl.when(nci < n_chunks)
                def _():
                    issue_in(nci, b)

            return carry

        lax.fori_loop(0, n_groups, group, 0)

        for b in range(_NBUF):
            wait_scatter(b)
        plsc.subcore_barrier()

        done = 0
        while done < rows_per_tile:
            n = min(BROWS, rows_per_tile - done)
            pltpu.sync_copy(aggr_sh.at[pl.ds(r0 + done, n), :],
                            out_hbm.at[cid, pl.ds(r0 + done, n), :])
            done += n

    return k(x, src3, dst, e)


def _mlp_body(x_ref, a0_ref, a1_ref, w1_ref, b1_ref, w2_ref, b2_ref, o_ref):
    h = x_ref[...] + a0_ref[...] + a1_ref[...]
    t = lax.dot_general(
        h, w1_ref[...], (((1,), (0,)), ((), ())),
        preferred_element_type=jnp.float32,
        precision=lax.Precision.DEFAULT,
    ) + b1_ref[...]
    g = t * 0.5 * (1.0 + lax.erf(t * 0.7071067811865476))
    o_ref[...] = lax.dot_general(
        g, w2_ref[...], (((1,), (0,)), ((), ())),
        preferred_element_type=jnp.float32,
        precision=lax.Precision.DEFAULT,
    ) + b2_ref[...]


def _mlp(x, a0, a1, W1, b1, W2, b2):
    N, D = x.shape
    H = W1.shape[1]
    BLK = 2000
    return pl.pallas_call(
        _mlp_body,
        grid=(N // BLK,),
        in_specs=[
            pl.BlockSpec((BLK, D), lambda i: (i, 0)),
            pl.BlockSpec((BLK, D), lambda i: (i, 0)),
            pl.BlockSpec((BLK, D), lambda i: (i, 0)),
            pl.BlockSpec((D, H), lambda i: (0, 0)),
            pl.BlockSpec((H,), lambda i: (0,)),
            pl.BlockSpec((H, H), lambda i: (0, 0)),
            pl.BlockSpec((H,), lambda i: (0,)),
        ],
        out_specs=pl.BlockSpec((BLK, H), lambda i: (i, 0)),
        out_shape=jax.ShapeDtypeStruct((N, H), jnp.float32),
    )(x, a0, a1, W1, b1, W2, b2)


def kernel(x, edge_index, edge_attr, We, be, W1, b1, W2, b2):
    E = edge_index.shape[1]
    n_w = _NC * _NS
    e_per_w = E // n_w
    src3 = edge_index[0].astype(jnp.int32).reshape(n_w, e_per_w)
    dst = edge_index[1].astype(jnp.int32)
    e = _project(edge_attr.T, We, be)
    aggr = _sc_aggregate(x, src3, dst, e)
    n = x.shape[0]
    return _mlp(x, aggr[0, :n], aggr[1, :n], W1, b1, W2, b2)

# --- scband reference (transcript-rebuilt; emitter-appended) ---
"""Pipeline reference for scband-ginlayer-65532611002909 (READ-ONLY COPY).

The authoritative reference and input builder live on the scoring server;
editing this copy changes nothing except your own understanding.
"""

import jax, jax.numpy as jnp
import numpy as np

N_NODES = 10000
N_EDGES = 320000
D_FEAT = 128
D_EDGE = 16
D_EMBED = 128
EPS = 0.0


def setup_inputs(seed: int = 0) -> dict:
    key = jax.random.key(seed)
    ks = jax.random.split(key, 10)
    x = jax.random.normal(ks[0], (N_NODES, D_FEAT), dtype=jnp.float32)
    edge_index = jax.random.randint(ks[1], (2, N_EDGES), 0, N_NODES, dtype=jnp.int64)
    edge_attr = jax.random.normal(ks[2], (N_EDGES, D_EDGE), dtype=jnp.float32)
    # GINEConv edge lin: maps edge_dim -> in_dim
    We = jax.random.normal(ks[3], (D_EDGE, D_FEAT), dtype=jnp.float32) * (1.0 / np.sqrt(D_EDGE))
    be = jnp.zeros((D_FEAT,), dtype=jnp.float32)
    # MLP: Linear(in_dim, embed_dim) -> GELU -> Linear(embed_dim, embed_dim)
    W1 = jax.random.normal(ks[4], (D_FEAT, D_EMBED), dtype=jnp.float32) * (1.0 / np.sqrt(D_FEAT))
    b1 = jnp.zeros((D_EMBED,), dtype=jnp.float32)
    W2 = jax.random.normal(ks[5], (D_EMBED, D_EMBED), dtype=jnp.float32) * (1.0 / np.sqrt(D_EMBED))
    b2 = jnp.zeros((D_EMBED,), dtype=jnp.float32)
    return {"x": x, "edge_index": edge_index, "edge_attr": edge_attr,
            "We": We, "be": be, "W1": W1, "b1": b1, "W2": W2, "b2": b2}


def reference(x, edge_index, edge_attr, We, be, W1, b1, W2, b2):
    src = edge_index[0]
    dst = edge_index[1]
    # edge_attr projected to node feature dim (GINEConv with edge_dim set)
    e = edge_attr @ We + be
    # message: ReLU(x_j + e) where x_j is the source-node feature per edge
    m = jax.nn.relu(jnp.take(x, src, axis=0) + e)
    # sum aggregation over destination nodes
    aggr = jax.ops.segment_sum(m, dst, num_segments=N_NODES)
    # GIN update: nn((1 + eps) * x + aggr)
    h = (1.0 + EPS) * x + aggr
    h1 = jax.nn.gelu(h @ W1 + b1, approximate=False)
    out = h1 @ W2 + b2
    return out

if __name__ == "__main__":
    import jax
    _d = setup_inputs()
    print(jax.jit(kernel)(*tuple(_d.values())))

</pallas_src>

<mosaic_0001>
#map = affine_map<(d0, d1) -> (0, 0)>
#map1 = affine_map<(d0, d1) -> (0)>
#map2 = affine_map<(d0, d1) -> (0, 0, 0)>
module attributes {stable_mosaic.version = 14 : i64} {
  func.func @k(%arg0: i32, %arg1: i32, %arg2: memref<10000x128xf32, #tpu.memory_space<hbm>>, %arg3: memref<32x10000xi32, #tpu.memory_space<hbm>>, %arg4: memref<320000xi32, #tpu.memory_space<hbm>>, %arg5: memref<320000x128xf32, #tpu.memory_space<hbm>>, %arg6: memref<2x10240x128xf32, #tpu.memory_space<hbm>>, %arg7: memref<10240x128xf32, #tpu.memory_space<vmem_shared>>, %arg8: memref<4x40xi32, #tpu.memory_space<vmem>>, %arg9: memref<80x128xf32, #tpu.memory_space<vmem>>, %arg10: memref<80x128xf32, #tpu.memory_space<vmem>>, %arg11: memref<2x!tpu.dma_semaphore, #tpu.memory_space<semaphore_mem>>, %arg12: memref<2x!tpu.dma_semaphore, #tpu.memory_space<semaphore_mem>>, %arg13: memref<10000xi32, #tpu.memory_space<vmem>>, %arg14: memref<80x128xf32, #tpu.memory_space<vmem>>) attributes {dimension_semantics = [#tpu.dimension_semantics<core_parallel>, #tpu.dimension_semantics<subcore_parallel>], iteration_bounds = array<i64: 2, 16>, scalar_prefetch = 0 : i64, scratch_operands = 8 : i64, tpu.core_type = #tpu.core_type<sc_vector_subcore>, window_params = [{transform_indices = #map}, {transform_indices = #map}, {transform_indices = #map1}, {transform_indices = #map}, {transform_indices = #map2}]} {
    %mul3A = arith.constant 16 : i32
    %mul3A_0 = arith.muli %arg0, %mul3A : i32
    %add3A = arith.addi %mul3A_0, %arg1 : i32
    "tpu.region"() ({
      %run_scoped3A = tpu.sem_alloc : memref<!tpu.dma_semaphore, #tpu.memory_space<semaphore_mem>>
      %dma_start3A_174 = arith.constant 0 : i32
      %dma_start3A_175 = tpu.memref_slice %arg3[%add3A, %dma_start3A_174] : memref<32x10000xi32, #tpu.memory_space<hbm>> -> memref<1x10000xi32, #tpu.memory_space<hbm>>
      %dma_start3A_176 = tpu.memref_squeeze %dma_start3A_175 : memref<1x10000xi32, #tpu.memory_space<hbm>> -> memref<10000xi32, #tpu.memory_space<hbm>>
      %dma_start3A_177 = arith.constant 0 : i32
      %dma_start3A_178 = tpu.memref_slice %arg3[%add3A, %dma_start3A_177] : memref<32x10000xi32, #tpu.memory_space<hbm>> -> memref<1x10000xi32, #tpu.memory_space<hbm>>
      %dma_start3A_179 = tpu.memref_squeeze %dma_start3A_178 : memref<1x10000xi32, #tpu.memory_space<hbm>> -> memref<10000xi32, #tpu.memory_space<hbm>>
      tpu.enqueue_dma source(%dma_start3A_179 : memref<10000xi32, #tpu.memory_space<hbm>>) target(%arg13 : memref<10000xi32, #tpu.memory_space<vmem>>) target_semaphore(%run_scoped3A : memref<!tpu.dma_semaphore, #tpu.memory_space<semaphore_mem>>)
      %dma_wait3A_180 = arith.constant 0 : i32
      %dma_wait3A_181 = tpu.memref_slice %arg3[%add3A, %dma_wait3A_180] : memref<32x10000xi32, #tpu.memory_space<hbm>> -> memref<1x10000xi32, #tpu.memory_space<hbm>>
      %dma_wait3A_182 = tpu.memref_squeeze %dma_wait3A_181 : memref<1x10000xi32, #tpu.memory_space<hbm>> -> memref<10000xi32, #tpu.memory_space<hbm>>
      %dma_wait3A_183 = arith.constant 0 : i32
      %dma_wait3A_184 = tpu.memref_slice %arg3[%add3A, %dma_wait3A_183] : memref<32x10000xi32, #tpu.memory_space<hbm>> -> memref<1x10000xi32, #tpu.memory_space<hbm>>
      %dma_wait3A_185 = tpu.memref_squeeze %dma_wait3A_184 : memref<1x10000xi32, #tpu.memory_space<hbm>> -> memref<10000xi32, #tpu.memory_space<hbm>>
      tpu.wait_dma2 semaphore(%run_scoped3A : memref<!tpu.dma_semaphore, #tpu.memory_space<semaphore_mem>>) src(%dma_wait3A_185 : memref<10000xi32, #tpu.memory_space<hbm>>) dst(%arg13 : memref<10000xi32, #tpu.memory_space<vmem>>)
      tpu.yield
    }) : () -> ()
    %broadcast_in_dim3A = arith.constant 0.000000e+00 : f32
    %broadcast_in_dim3A_1 = vector.broadcast %broadcast_in_dim3A : f32 to vector<16xf32>
    %scan3A = arith.constant 0 : i32
    %scan3A_2 = arith.constant 0 : i32
    %scan3A_3 = arith.constant 80 : i32
    %scan3A_4 = arith.addi %scan3A_2, %scan3A_3 : i32
    %scan3A_5 = arith.constant 1 : i32
    scf.for %scan3A_174 = %scan3A_2 to %scan3A_4 step %scan3A_5  : i32 {
      %swap3A = arith.index_cast %scan3A_174 : i32 to index
      %swap3A_175 = arith.constant 0 : index
      %swap3A_176 = tpu.vector_load %arg10[%swap3A, %swap3A_175] {strides = array<i32>} : memref<80x128xf32, #tpu.memory_space<vmem>>, vector<1x16xf32>,
      %swap3A_177 = vector.shape_cast %swap3A_176 : vector<1x16xf32> to vector<16xf32>
      %swap3A_178 = vector.shape_cast %broadcast_in_dim3A_1 : vector<16xf32> to vector<1x16xf32>
      tpu.vector_store %arg10[%swap3A, %swap3A_175], %swap3A_178 {strides = array<i32>} : memref<80x128xf32, #tpu.memory_space<vmem>>, vector<1x16xf32>,
      %swap3A_179 = arith.index_cast %scan3A_174 : i32 to index
      %swap3A_180 = arith.constant 16 : index
      %swap3A_181 = tpu.vector_load %arg10[%swap3A_179, %swap3A_180] {strides = array<i32>} : memref<80x128xf32, #tpu.memory_space<vmem>>, vector<1x16xf32>,
      %swap3A_182 = vector.shape_cast %swap3A_181 : vector<1x16xf32> to vector<16xf32>
      %swap3A_183 = vector.shape_cast %broadcast_in_dim3A_1 : vector<16xf32> to vector<1x16xf32>
      tpu.vector_store %arg10[%swap3A_179, %swap3A_180], %swap3A_183 {strides = array<i32>} : memref<80x128xf32, #tpu.memory_space<vmem>>, vector<1x16xf32>,
      %swap3A_184 = arith.index_cast %scan3A_174 : i32 to index
      %swap3A_185 = arith.constant 32 : index
      %swap3A_186 = tpu.vector_load %arg10[%swap3A_184, %swap3A_185] {strides = array<i32>} : memref<80x128xf32, #tpu.memory_space<vmem>>, vector<1x16xf32>,
      %swap3A_187 = vector.shape_cast %swap3A_186 : vector<1x16xf32> to vector<16xf32>
      %swap3A_188 = vector.shape_cast %broadcast_in_dim3A_1 : vector<16xf32> to vector<1x16xf32>
      tpu.vector_store %arg10[%swap3A_184, %swap3A_185], %swap3A_188 {strides = array<i32>} : memref<80x128xf32, #tpu.memory_space<vmem>>, vector<1x16xf32>,
      %swap3A_189 = arith.index_cast %scan3A_174 : i32 to index
      %swap3A_190 = arith.constant 48 : index
      %swap3A_191 = tpu.vector_load %arg10[%swap3A_189, %swap3A_190] {strides = array<i32>} : memref<80x128xf32, #tpu.memory_space<vmem>>, vector<1x16xf32>,
      %swap3A_192 = vector.shape_cast %swap3A_191 : vector<1x16xf32> to vector<16xf32>
      %swap3A_193 = vector.shape_cast %broadcast_in_dim3A_1 : vector<16xf32> to vector<1x16xf32>
      tpu.vector_store %arg10[%swap3A_189, %swap3A_190], %swap3A_193 {strides = array<i32>} : memref<80x128xf32, #tpu.memory_space<vmem>>, vector<1x16xf32>,
      %swap3A_194 = arith.index_cast %scan3A_174 : i32 to index
      %swap3A_195 = arith.constant 64 : index
      %swap3A_196 = tpu.vector_load %arg10[%swap3A_194, %swap3A_195] {strides = array<i32>} : memref<80x128xf32, #tpu.memory_space<vmem>>, vector<1x16xf32>,
      %swap3A_197 = vector.shape_cast %swap3A_196 : vector<1x16xf32> to vector<16xf32>
      %swap3A_198 = vector.shape_cast %broadcast_in_dim3A_1 : vector<16xf32> to vector<1x16xf32>
      tpu.vector_store %arg10[%swap3A_194, %swap3A_195], %swap3A_198 {strides = array<i32>} : memref<80x128xf32, #tpu.memory_space<vmem>>, vector<1x16xf32>,
      %swap3A_199 = arith.index_cast %scan3A_174 : i32 to index
      %swap3A_200 = arith.constant 80 : index
      %swap3A_201 = tpu.vector_load %arg10[%swap3A_199, %swap3A_200] {strides = array<i32>} : memref<80x128xf32, #tpu.memory_space<vmem>>, vector<1x16xf32>,
      %swap3A_202 = vector.shape_cast %swap3A_201 : vector<1x16xf32> to vector<16xf32>
      %swap3A_203 = vector.shape_cast %broadcast_in_dim3A_1 : vector<16xf32> to vector<1x16xf32>
      tpu.vector_store %arg10[%swap3A_199, %swap3A_200], %swap3A_203 {strides = array<i32>} : memref<80x128xf32, #tpu.memory_space<vmem>>, vector<1x16xf32>,
      %swap3A_204 = arith.index_cast %scan3A_174 : i32 to index
      %swap3A_205 = arith.constant 96 : index
      %swap3A_206 = tpu.vector_load %arg10[%swap3A_204, %swap3A_205] {strides = array<i32>} : memref<80x128xf32, #tpu.memory_space<vmem>>, vector<1x16xf32>,
      %swap3A_207 = vector.shape_cast %swap3A_206 : vector<1x16xf32> to vector<16xf32>
      %swap3A_208 = vector.shape_cast %broadcast_in_dim3A_1 : vector<16xf32> to vector<1x16xf32>
      tpu.vector_store %arg10[%swap3A_204, %swap3A_205], %swap3A_208 {strides = array<i32>} : memref<80x128xf32, #tpu.memory_space<vmem>>, vector<1x16xf32>,
      %swap3A_209 = arith.index_cast %scan3A_174 : i32 to index
      %swap3A_210 = arith.constant 112 : index
      %swap3A_211 = tpu.vector_load %arg10[%swap3A_209, %swap3A_210] {strides = array<i32>} : memref<80x128xf32, #tpu.memory_space<vmem>>, vector<1x16xf32>,
      %swap3A_212 = vector.shape_cast %swap3A_211 : vector<1x16xf32> to vector<16xf32>
      %swap3A_213 = vector.shape_cast %broadcast_in_dim3A_1 : vector<16xf32> to vector<1x16xf32>
      tpu.vector_store %arg10[%swap3A_209, %swap3A_210], %swap3A_213 {strides = array<i32>} : memref<80x128xf32, #tpu.memory_space<vmem>>, vector<1x16xf32>,
    }
    %scan3A_6 = arith.constant 80 : i32
    %mul3A_7 = arith.constant 640 : i32
    %mul3A_8 = arith.muli %arg1, %mul3A_7 : i32
    %add3A_9 = arith.constant 0 : i32
    %add3A_10 = arith.addi %mul3A_8, %add3A_9 : i32
    "tpu.region"() ({
      %run_scoped3A = tpu.sem_alloc : memref<!tpu.dma_semaphore, #tpu.memory_space<semaphore_mem>>
      %dma_start3A_174 = arith.constant 0 : i32
      %dma_start3A_175 = arith.constant 0 : i32
      %dma_start3A_176 = tpu.memref_slice %arg10[%dma_start3A_174, %dma_start3A_175] : memref<80x128xf32, #tpu.memory_space<vmem>> -> memref<80x128xf32, #tpu.memory_space<vmem>>
      %dma_start3A_177 = arith.constant 0 : i32
      %dma_start3A_178 = tpu.memref_slice %arg7[%add3A_10, %dma_start3A_177] : memref<10240x128xf32, #tpu.memory_space<vmem_shared>> -> memref<80x128xf32, #tpu.memory_space<vmem_shared>>
      %dma_start3A_179 = arith.constant 0 : i32
      %dma_start3A_180 = tpu.memref_slice %arg7[%add3A_10, %dma_start3A_179] : memref<10240x128xf32, #tpu.memory_space<vmem_shared>> -> memref<80x128xf32, #tpu.memory_space<vmem_shared>>
      %dma_start3A_181 = arith.constant 0 : i32
      %dma_start3A_182 = arith.constant 0 : i32
      %dma_start3A_183 = tpu.memref_slice %arg10[%dma_start3A_181, %dma_start3A_182] : memref<80x128xf32, #tpu.memory_space<vmem>> -> memref<80x128xf32, #tpu.memory_space<vmem>>
      tpu.enqueue_dma source(%dma_start3A_183 : memref<80x128xf32, #tpu.memory_space<vmem>>) target(%dma_start3A_180 : memref<80x128xf32, #tpu.memory_space<vmem_shared>>) target_semaphore(%run_scoped3A : memref<!tpu.dma_semaphore, #tpu.memory_space<semaphore_mem>>)
      %dma_wait3A_184 = arith.constant 0 : i32
      %dma_wait3A_185 = arith.constant 0 : i32
      %dma_wait3A_186 = tpu.memref_slice %arg10[%dma_wait3A_184, %dma_wait3A_185] : memref<80x128xf32, #tpu.memory_space<vmem>> -> memref<80x128xf32, #tpu.memory_space<vmem>>
      %dma_wait3A_187 = arith.constant 0 : i32
      %dma_wait3A_188 = tpu.memref_slice %arg7[%add3A_10, %dma_wait3A_187] : memref<10240x128xf32, #tpu.memory_space<vmem_shared>> -> memref<80x128xf32, #tpu.memory_space<vmem_shared>>
      %dma_wait3A_189 = arith.constant 0 : i32
      %dma_wait3A_190 = tpu.memref_slice %arg7[%add3A_10, %dma_wait3A_189] : memref<10240x128xf32, #tpu.memory_space<vmem_shared>> -> memref<80x128xf32, #tpu.memory_space<vmem_shared>>
      %dma_wait3A_191 = arith.constant 0 : i32
      %dma_wait3A_192 = arith.constant 0 : i32
      %dma_wait3A_193 = tpu.memref_slice %arg10[%dma_wait3A_191, %dma_wait3A_192] : memref<80x128xf32, #tpu.memory_space<vmem>> -> memref<80x128xf32, #tpu.memory_space<vmem>>
      tpu.wait_dma2 semaphore(%run_scoped3A : memref<!tpu.dma_semaphore, #tpu.memory_space<semaphore_mem>>) src(%dma_wait3A_193 : memref<80x128xf32, #tpu.memory_space<vmem>>) dst(%dma_wait3A_190 : memref<80x128xf32, #tpu.memory_space<vmem_shared>>)
      tpu.yield
    }) : () -> ()
    %add3A_11 = arith.constant 80 : i32
    %add3A_12 = arith.addi %mul3A_8, %add3A_11 : i32
    "tpu.region"() ({
      %run_scoped3A = tpu.sem_alloc : memref<!tpu.dma_semaphore, #tpu.memory_space<semaphore_mem>>
      %dma_start3A_174 = arith.constant 0 : i32
      %dma_start3A_175 = arith.constant 0 : i32
      %dma_start3A_176 = tpu.memref_slice %arg10[%dma_start3A_174, %dma_start3A_175] : memref<80x128xf32, #tpu.memory_space<vmem>> -> memref<80x128xf32, #tpu.memory_space<vmem>>
      %dma_start3A_177 = arith.constant 0 : i32
      %dma_start3A_178 = tpu.memref_slice %arg7[%add3A_12, %dma_start3A_177] : memref<10240x128xf32, #tpu.memory_space<vmem_shared>> -> memref<80x128xf32, #tpu.memory_space<vmem_shared>>
      %dma_start3A_179 = arith.constant 0 : i32
      %dma_start3A_180 = tpu.memref_slice %arg7[%add3A_12, %dma_start3A_179] : memref<10240x128xf32, #tpu.memory_space<vmem_shared>> -> memref<80x128xf32, #tpu.memory_space<vmem_shared>>
      %dma_start3A_181 = arith.constant 0 : i32
      %dma_start3A_182 = arith.constant 0 : i32
      %dma_start3A_183 = tpu.memref_slice %arg10[%dma_start3A_181, %dma_start3A_182] : memref<80x128xf32, #tpu.memory_space<vmem>> -> memref<80x128xf32, #tpu.memory_space<vmem>>
      tpu.enqueue_dma source(%dma_start3A_183 : memref<80x128xf32, #tpu.memory_space<vmem>>) target(%dma_start3A_180 : memref<80x128xf32, #tpu.memory_space<vmem_shared>>) target_semaphore(%run_scoped3A : memref<!tpu.dma_semaphore, #tpu.memory_space<semaphore_mem>>)
      %dma_wait3A_184 = arith.constant 0 : i32
      %dma_wait3A_185 = arith.constant 0 : i32
      %dma_wait3A_186 = tpu.memref_slice %arg10[%dma_wait3A_184, %dma_wait3A_185] : memref<80x128xf32, #tpu.memory_space<vmem>> -> memref<80x128xf32, #tpu.memory_space<vmem>>
      %dma_wait3A_187 = arith.constant 0 : i32
      %dma_wait3A_188 = tpu.memref_slice %arg7[%add3A_12, %dma_wait3A_187] : memref<10240x128xf32, #tpu.memory_space<vmem_shared>> -> memref<80x128xf32, #tpu.memory_space<vmem_shared>>
      %dma_wait3A_189 = arith.constant 0 : i32
      %dma_wait3A_190 = tpu.memref_slice %arg7[%add3A_12, %dma_wait3A_189] : memref<10240x128xf32, #tpu.memory_space<vmem_shared>> -> memref<80x128xf32, #tpu.memory_space<vmem_shared>>
      %dma_wait3A_191 = arith.constant 0 : i32
      %dma_wait3A_192 = arith.constant 0 : i32
      %dma_wait3A_193 = tpu.memref_slice %arg10[%dma_wait3A_191, %dma_wait3A_192] : memref<80x128xf32, #tpu.memory_space<vmem>> -> memref<80x128xf32, #tpu.memory_space<vmem>>
      tpu.wait_dma2 semaphore(%run_scoped3A : memref<!tpu.dma_semaphore, #tpu.memory_space<semaphore_mem>>) src(%dma_wait3A_193 : memref<80x128xf32, #tpu.memory_space<vmem>>) dst(%dma_wait3A_190 : memref<80x128xf32, #tpu.memory_space<vmem_shared>>)
      tpu.yield
    }) : () -> ()
    %add3A_13 = arith.constant 160 : i32
    %add3A_14 = arith.addi %mul3A_8, %add3A_13 : i32
    "tpu.region"() ({
      %run_scoped3A = tpu.sem_alloc : memref<!tpu.dma_semaphore, #tpu.memory_space<semaphore_mem>>
      %dma_start3A_174 = arith.constant 0 : i32
      %dma_start3A_175 = arith.constant 0 : i32
      %dma_start3A_176 = tpu.memref_slice %arg10[%dma_start3A_174, %dma_start3A_175] : memref<80x128xf32, #tpu.memory_space<vmem>> -> memref<80x128xf32, #tpu.memory_space<vmem>>
      %dma_start3A_177 = arith.constant 0 : i32
      %dma_start3A_178 = tpu.memref_slice %arg7[%add3A_14, %dma_start3A_177] : memref<10240x128xf32, #tpu.memory_space<vmem_shared>> -> memref<80x128xf32, #tpu.memory_space<vmem_shared>>
      %dma_start3A_179 = arith.constant 0 : i32
      %dma_start3A_180 = tpu.memref_slice %arg7[%add3A_14, %dma_start3A_179] : memref<10240x128xf32, #tpu.memory_space<vmem_shared>> -> memref<80x128xf32, #tpu.memory_space<vmem_shared>>
      %dma_start3A_181 = arith.constant 0 : i32
      %dma_start3A_182 = arith.constant 0 : i32
      %dma_start3A_183 = tpu.memref_slice %arg10[%dma_start3A_181, %dma_start3A_182] : memref<80x128xf32, #tpu.memory_space<vmem>> -> memref<80x128xf32, #tpu.memory_space<vmem>>
      tpu.enqueue_dma source(%dma_start3A_183 : memref<80x128xf32, #tpu.memory_space<vmem>>) target(%dma_start3A_180 : memref<80x128xf32, #tpu.memory_space<vmem_shared>>) target_semaphore(%run_scoped3A : memref<!tpu.dma_semaphore, #tpu.memory_space<semaphore_mem>>)
      %dma_wait3A_184 = arith.constant 0 : i32
      %dma_wait3A_185 = arith.constant 0 : i32
      %dma_wait3A_186 = tpu.memref_slice %arg10[%dma_wait3A_184, %dma_wait3A_185] : memref<80x128xf32, #tpu.memory_space<vmem>> -> memref<80x128xf32, #tpu.memory_space<vmem>>
      %dma_wait3A_187 = arith.constant 0 : i32
      %dma_wait3A_188 = tpu.memref_slice %arg7[%add3A_14, %dma_wait3A_187] : memref<10240x128xf32, #tpu.memory_space<vmem_shared>> -> memref<80x128xf32, #tpu.memory_space<vmem_shared>>
      %dma_wait3A_189 = arith.constant 0 : i32
      %dma_wait3A_190 = tpu.memref_slice %arg7[%add3A_14, %dma_wait3A_189] : memref<10240x128xf32, #tpu.memory_space<vmem_shared>> -> memref<80x128xf32, #tpu.memory_space<vmem_shared>>
      %dma_wait3A_191 = arith.constant 0 : i32
      %dma_wait3A_192 = arith.constant 0 : i32
      %dma_wait3A_193 = tpu.memref_slice %arg10[%dma_wait3A_191, %dma_wait3A_192] : memref<80x128xf32, #tpu.memory_space<vmem>> -> memref<80x128xf32, #tpu.memory_space<vmem>>
      tpu.wait_dma2 semaphore(%run_scoped3A : memref<!tpu.dma_semaphore, #tpu.memory_space<semaphore_mem>>) src(%dma_wait3A_193 : memref<80x128xf32, #tpu.memory_space<vmem>>) dst(%dma_wait3A_190 : memref<80x128xf32, #tpu.memory_space<vmem_shared>>)
      tpu.yield
    }) : () -> ()
    %add3A_15 = arith.constant 240 : i32
    %add3A_16 = arith.addi %mul3A_8, %add3A_15 : i32
    "tpu.region"() ({
      %run_scoped3A = tpu.sem_alloc : memref<!tpu.dma_semaphore, #tpu.memory_space<semaphore_mem>>
      %dma_start3A_174 = arith.constant 0 : i32
      %dma_start3A_175 = arith.constant 0 : i32
      %dma_start3A_176 = tpu.memref_slice %arg10[%dma_start3A_174, %dma_start3A_175] : memref<80x128xf32, #tpu.memory_space<vmem>> -> memref<80x128xf32, #tpu.memory_space<vmem>>
      %dma_start3A_177 = arith.constant 0 : i32
      %dma_start3A_178 = tpu.memref_slice %arg7[%add3A_16, %dma_start3A_177] : memref<10240x128xf32, #tpu.memory_space<vmem_shared>> -> memref<80x128xf32, #tpu.memory_space<vmem_shared>>
      %dma_start3A_179 = arith.constant 0 : i32
      %dma_start3A_180 = tpu.memref_slice %arg7[%add3A_16, %dma_start3A_179] : memref<10240x128xf32, #tpu.memory_space<vmem_shared>> -> memref<80x128xf32, #tpu.memory_space<vmem_shared>>
      %dma_start3A_181 = arith.constant 0 : i32
      %dma_start3A_182 = arith.constant 0 : i32
      %dma_start3A_183 = tpu.memref_slice %arg10[%dma_start3A_181, %dma_start3A_182] : memref<80x128xf32, #tpu.memory_space<vmem>> -> memref<80x128xf32, #tpu.memory_space<vmem>>
      tpu.enqueue_dma source(%dma_start3A_183 : memref<80x128xf32, #tpu.memory_space<vmem>>) target(%dma_start3A_180 : memref<80x128xf32, #tpu.memory_space<vmem_shared>>) target_semaphore(%run_scoped3A : memref<!tpu.dma_semaphore, #tpu.memory_space<semaphore_mem>>)
      %dma_wait3A_184 = arith.constant 0 : i32
      %dma_wait3A_185 = arith.constant 0 : i32
      %dma_wait3A_186 = tpu.memref_slice %arg10[%dma_wait3A_184, %dma_wait3A_185] : memref<80x128xf32, #tpu.memory_space<vmem>> -> memref<80x128xf32, #tpu.memory_space<vmem>>
      %dma_wait3A_187 = arith.constant 0 : i32
      %dma_wait3A_188 = tpu.memref_slice %arg7[%add3A_16, %dma_wait3A_187] : memref<10240x128xf32, #tpu.memory_space<vmem_shared>> -> memref<80x128xf32, #tpu.memory_space<vmem_shared>>
      %dma_wait3A_189 = arith.constant 0 : i32
      %dma_wait3A_190 = tpu.memref_slice %arg7[%add3A_16, %dma_wait3A_189] : memref<10240x128xf32, #tpu.memory_space<vmem_shared>> -> memref<80x128xf32, #tpu.memory_space<vmem_shared>>
      %dma_wait3A_191 = arith.constant 0 : i32
      %dma_wait3A_192 = arith.constant 0 : i32
      %dma_wait3A_193 = tpu.memref_slice %arg10[%dma_wait3A_191, %dma_wait3A_192] : memref<80x128xf32, #tpu.memory_space<vmem>> -> memref<80x128xf32, #tpu.memory_space<vmem>>
      tpu.wait_dma2 semaphore(%run_scoped3A : memref<!tpu.dma_semaphore, #tpu.memory_space<semaphore_mem>>) src(%dma_wait3A_193 : memref<80x128xf32, #tpu.memory_space<vmem>>) dst(%dma_wait3A_190 : memref<80x128xf32, #tpu.memory_space<vmem_shared>>)
      tpu.yield
    }) : () -> ()
    %add3A_17 = arith.constant 320 : i32
    %add3A_18 = arith.addi %mul3A_8, %add3A_17 : i32
    "tpu.region"() ({
      %run_scoped3A = tpu.sem_alloc : memref<!tpu.dma_semaphore, #tpu.memory_space<semaphore_mem>>
      %dma_start3A_174 = arith.constant 0 : i32
      %dma_start3A_175 = arith.constant 0 : i32
      %dma_start3A_176 = tpu.memref_slice %arg10[%dma_start3A_174, %dma_start3A_175] : memref<80x128xf32, #tpu.memory_space<vmem>> -> memref<80x128xf32, #tpu.memory_space<vmem>>
      %dma_start3A_177 = arith.constant 0 : i32
      %dma_start3A_178 = tpu.memref_slice %arg7[%add3A_18, %dma_start3A_177] : memref<10240x128xf32, #tpu.memory_space<vmem_shared>> -> memref<80x128xf32, #tpu.memory_space<vmem_shared>>
      %dma_start3A_179 = arith.constant 0 : i32
      %dma_start3A_180 = tpu.memref_slice %arg7[%add3A_18, %dma_start3A_179] : memref<10240x128xf32, #tpu.memory_space<vmem_shared>> -> memref<80x128xf32, #tpu.memory_space<vmem_shared>>
      %dma_start3A_181 = arith.constant 0 : i32
      %dma_start3A_182 = arith.constant 0 : i32
      %dma_start3A_183 = tpu.memref_slice %arg10[%dma_start3A_181, %dma_start3A_182] : memref<80x128xf32, #tpu.memory_space<vmem>> -> memref<80x128xf32, #tpu.memory_space<vmem>>
      tpu.enqueue_dma source(%dma_start3A_183 : memref<80x128xf32, #tpu.memory_space<vmem>>) target(%dma_start3A_180 : memref<80x128xf32, #tpu.memory_space<vmem_shared>>) target_semaphore(%run_scoped3A : memref<!tpu.dma_semaphore, #tpu.memory_space<semaphore_mem>>)
      %dma_wait3A_184 = arith.constant 0 : i32
      %dma_wait3A_185 = arith.constant 0 : i32
      %dma_wait3A_186 = tpu.memref_slice %arg10[%dma_wait3A_184, %dma_wait3A_185] : memref<80x128xf32, #tpu.memory_space<vmem>> -> memref<80x128xf32, #tpu.memory_space<vmem>>
      %dma_wait3A_187 = arith.constant 0 : i32
      %dma_wait3A_188 = tpu.memref_slice %arg7[%add3A_18, %dma_wait3A_187] : memref<10240x128xf32, #tpu.memory_space<vmem_shared>> -> memref<80x128xf32, #tpu.memory_space<vmem_shared>>
      %dma_wait3A_189 = arith.constant 0 : i32
      %dma_wait3A_190 = tpu.memref_slice %arg7[%add3A_18, %dma_wait3A_189] : memref<10240x128xf32, #tpu.memory_space<vmem_shared>> -> memref<80x128xf32, #tpu.memory_space<vmem_shared>>
      %dma_wait3A_191 = arith.constant 0 : i32
      %dma_wait3A_192 = arith.constant 0 : i32
      %dma_wait3A_193 = tpu.memref_slice %arg10[%dma_wait3A_191, %dma_wait3A_192] : memref<80x128xf32, #tpu.memory_space<vmem>> -> memref<80x128xf32, #tpu.memory_space<vmem>>
      tpu.wait_dma2 semaphore(%run_scoped3A : memref<!tpu.dma_semaphore, #tpu.memory_space<semaphore_mem>>) src(%dma_wait3A_193 : memref<80x128xf32, #tpu.memory_space<vmem>>) dst(%dma_wait3A_190 : memref<80x128xf32, #tpu.memory_space<vmem_shared>>)
      tpu.yield
    }) : () -> ()
    %add3A_19 = arith.constant 400 : i32
    %add3A_20 = arith.addi %mul3A_8, %add3A_19 : i32
    "tpu.region"() ({
      %run_scoped3A = tpu.sem_alloc : memref<!tpu.dma_semaphore, #tpu.memory_space<semaphore_mem>>
      %dma_start3A_174 = arith.constant 0 : i32
      %dma_start3A_175 = arith.constant 0 : i32
      %dma_start3A_176 = tpu.memref_slice %arg10[%dma_start3A_174, %dma_start3A_175] : memref<80x128xf32, #tpu.memory_space<vmem>> -> memref<80x128xf32, #tpu.memory_space<vmem>>
      %dma_start3A_177 = arith.constant 0 : i32
      %dma_start3A_178 = tpu.memref_slice %arg7[%add3A_20, %dma_start3A_177] : memref<10240x128xf32, #tpu.memory_space<vmem_shared>> -> memref<80x128xf32, #tpu.memory_space<vmem_shared>>
      %dma_start3A_179 = arith.constant 0 : i32
      %dma_start3A_180 = tpu.memref_slice %arg7[%add3A_20, %dma_start3A_179] : memref<10240x128xf32, #tpu.memory_space<vmem_shared>> -> memref<80x128xf32, #tpu.memory_space<vmem_shared>>
      %dma_start3A_181 = arith.constant 0 : i32
      %dma_start3A_182 = arith.constant 0 : i32
      %dma_start3A_183 = tpu.memref_slice %arg10[%dma_start3A_181, %dma_start3A_182] : memref<80x128xf32, #tpu.memory_space<vmem>> -> memref<80x128xf32, #tpu.memory_space<vmem>>
      tpu.enqueue_dma source(%dma_start3A_183 : memref<80x128xf32, #tpu.memory_space<vmem>>) target(%dma_start3A_180 : memref<80x128xf32, #tpu.memory_space<vmem_shared>>) target_semaphore(%run_scoped3A : memref<!tpu.dma_semaphore, #tpu.memory_space<semaphore_mem>>)
      %dma_wait3A_184 = arith.constant 0 : i32
      %dma_wait3A_185 = arith.constant 0 : i32
      %dma_wait3A_186 = tpu.memref_slice %arg10[%dma_wait3A_184, %dma_wait3A_185] : memref<80x128xf32, #tpu.memory_space<vmem>> -> memref<80x128xf32, #tpu.memory_space<vmem>>
      %dma_wait3A_187 = arith.constant 0 : i32
      %dma_wait3A_188 = tpu.memref_slice %arg7[%add3A_20, %dma_wait3A_187] : memref<10240x128xf32, #tpu.memory_space<vmem_shared>> -> memref<80x128xf32, #tpu.memory_space<vmem_shared>>
      %dma_wait3A_189 = arith.constant 0 : i32
      %dma_wait3A_190 = tpu.memref_slice %arg7[%add3A_20, %dma_wait3A_189] : memref<10240x128xf32, #tpu.memory_space<vmem_shared>> -> memref<80x128xf32, #tpu.memory_space<vmem_shared>>
      %dma_wait3A_191 = arith.constant 0 : i32
      %dma_wait3A_192 = arith.constant 0 : i32
      %dma_wait3A_193 = tpu.memref_slice %arg10[%dma_wait3A_191, %dma_wait3A_192] : memref<80x128xf32, #tpu.memory_space<vmem>> -> memref<80x128xf32, #tpu.memory_space<vmem>>
      tpu.wait_dma2 semaphore(%run_scoped3A : memref<!tpu.dma_semaphore, #tpu.memory_space<semaphore_mem>>) src(%dma_wait3A_193 : memref<80x128xf32, #tpu.memory_space<vmem>>) dst(%dma_wait3A_190 : memref<80x128xf32, #tpu.memory_space<vmem_shared>>)
      tpu.yield
    }) : () -> ()
    %add3A_21 = arith.constant 480 : i32
    %add3A_22 = arith.addi %mul3A_8, %add3A_21 : i32
    "tpu.region"() ({
      %run_scoped3A = tpu.sem_alloc : memref<!tpu.dma_semaphore, #tpu.memory_space<semaphore_mem>>
      %dma_start3A_174 = arith.constant 0 : i32
      %dma_start3A_175 = arith.constant 0 : i32
      %dma_start3A_176 = tpu.memref_slice %arg10[%dma_start3A_174, %dma_start3A_175] : memref<80x128xf32, #tpu.memory_space<vmem>> -> memref<80x128xf32, #tpu.memory_space<vmem>>
      %dma_start3A_177 = arith.constant 0 : i32
      %dma_start3A_178 = tpu.memref_slice %arg7[%add3A_22, %dma_start3A_177] : memref<10240x128xf32, #tpu.memory_space<vmem_shared>> -> memref<80x128xf32, #tpu.memory_space<vmem_shared>>
      %dma_start3A_179 = arith.constant 0 : i32
      %dma_start3A_180 = tpu.memref_slice %arg7[%add3A_22, %dma_start3A_179] : memref<10240x128xf32, #tpu.memory_space<vmem_shared>> -> memref<80x128xf32, #tpu.memory_space<vmem_shared>>
      %dma_start3A_181 = arith.constant 0 : i32
      %dma_start3A_182 = arith.constant 0 : i32
      %dma_start3A_183 = tpu.memref_slice %arg10[%dma_start3A_181, %dma_start3A_182] : memref<80x128xf32, #tpu.memory_space<vmem>> -> memref<80x128xf32, #tpu.memory_space<vmem>>
      tpu.enqueue_dma source(%dma_start3A_183 : memref<80x128xf32, #tpu.memory_space<vmem>>) target(%dma_start3A_180 : memref<80x128xf32, #tpu.memory_space<vmem_shared>>) target_semaphore(%run_scoped3A : memref<!tpu.dma_semaphore, #tpu.memory_space<semaphore_mem>>)
      %dma_wait3A_184 = arith.constant 0 : i32
      %dma_wait3A_185 = arith.constant 0 : i32
      %dma_wait3A_186 = tpu.memref_slice %arg10[%dma_wait3A_184, %dma_wait3A_185] : memref<80x128xf32, #tpu.memory_space<vmem>> -> memref<80x128xf32, #tpu.memory_space<vmem>>
      %dma_wait3A_187 = arith.constant 0 : i32
      %dma_wait3A_188 = tpu.memref_slice %arg7[%add3A_22, %dma_wait3A_187] : memref<10240x128xf32, #tpu.memory_space<vmem_shared>> -> memref<80x128xf32, #tpu.memory_space<vmem_shared>>
      %dma_wait3A_189 = arith.constant 0 : i32
      %dma_wait3A_190 = tpu.memref_slice %arg7[%add3A_22, %dma_wait3A_189] : memref<10240x128xf32, #tpu.memory_space<vmem_shared>> -> memref<80x128xf32, #tpu.memory_space<vmem_shared>>
      %dma_wait3A_191 = arith.constant 0 : i32
      %dma_wait3A_192 = arith.constant 0 : i32
      %dma_wait3A_193 = tpu.memref_slice %arg10[%dma_wait3A_191, %dma_wait3A_192] : memref<80x128xf32, #tpu.memory_space<vmem>> -> memref<80x128xf32, #tpu.memory_space<vmem>>
      tpu.wait_dma2 semaphore(%run_scoped3A : memref<!tpu.dma_semaphore, #tpu.memory_space<semaphore_mem>>) src(%dma_wait3A_193 : memref<80x128xf32, #tpu.memory_space<vmem>>) dst(%dma_wait3A_190 : memref<80x128xf32, #tpu.memory_space<vmem_shared>>)
      tpu.yield
    }) : () -> ()
    %add3A_23 = arith.constant 560 : i32
    %add3A_24 = arith.addi %mul3A_8, %add3A_23 : i32
    "tpu.region"() ({
      %run_scoped3A = tpu.sem_alloc : memref<!tpu.dma_semaphore, #tpu.memory_space<semaphore_mem>>
      %dma_start3A_174 = arith.constant 0 : i32
      %dma_start3A_175 = arith.constant 0 : i32
      %dma_start3A_176 = tpu.memref_slice %arg10[%dma_start3A_174, %dma_start3A_175] : memref<80x128xf32, #tpu.memory_space<vmem>> -> memref<80x128xf32, #tpu.memory_space<vmem>>
      %dma_start3A_177 = arith.constant 0 : i32
      %dma_start3A_178 = tpu.memref_slice %arg7[%add3A_24, %dma_start3A_177] : memref<10240x128xf32, #tpu.memory_space<vmem_shared>> -> memref<80x128xf32, #tpu.memory_space<vmem_shared>>
      %dma_start3A_179 = arith.constant 0 : i32
      %dma_start3A_180 = tpu.memref_slice %arg7[%add3A_24, %dma_start3A_179] : memref<10240x128xf32, #tpu.memory_space<vmem_shared>> -> memref<80x128xf32, #tpu.memory_space<vmem_shared>>
      %dma_start3A_181 = arith.constant 0 : i32
      %dma_start3A_182 = arith.constant 0 : i32
      %dma_start3A_183 = tpu.memref_slice %arg10[%dma_start3A_181, %dma_start3A_182] : memref<80x128xf32, #tpu.memory_space<vmem>> -> memref<80x128xf32, #tpu.memory_space<vmem>>
      tpu.enqueue_dma source(%dma_start3A_183 : memref<80x128xf32, #tpu.memory_space<vmem>>) target(%dma_start3A_180 : memref<80x128xf32, #tpu.memory_space<vmem_shared>>) target_semaphore(%run_scoped3A : memref<!tpu.dma_semaphore, #tpu.memory_space<semaphore_mem>>)
      %dma_wait3A_184 = arith.constant 0 : i32
      %dma_wait3A_185 = arith.constant 0 : i32
      %dma_wait3A_186 = tpu.memref_slice %arg10[%dma_wait3A_184, %dma_wait3A_185] : memref<80x128xf32, #tpu.memory_space<vmem>> -> memref<80x128xf32, #tpu.memory_space<vmem>>
      %dma_wait3A_187 = arith.constant 0 : i32
      %dma_wait3A_188 = tpu.memref_slice %arg7[%add3A_24, %dma_wait3A_187] : memref<10240x128xf32, #tpu.memory_space<vmem_shared>> -> memref<80x128xf32, #tpu.memory_space<vmem_shared>>
      %dma_wait3A_189 = arith.constant 0 : i32
      %dma_wait3A_190 = tpu.memref_slice %arg7[%add3A_24, %dma_wait3A_189] : memref<10240x128xf32, #tpu.memory_space<vmem_shared>> -> memref<80x128xf32, #tpu.memory_space<vmem_shared>>
      %dma_wait3A_191 = arith.constant 0 : i32
      %dma_wait3A_192 = arith.constant 0 : i32
      %dma_wait3A_193 = tpu.memref_slice %arg10[%dma_wait3A_191, %dma_wait3A_192] : memref<80x128xf32, #tpu.memory_space<vmem>> -> memref<80x128xf32, #tpu.memory_space<vmem>>
      tpu.wait_dma2 semaphore(%run_scoped3A : memref<!tpu.dma_semaphore, #tpu.memory_space<semaphore_mem>>) src(%dma_wait3A_193 : memref<80x128xf32, #tpu.memory_space<vmem>>) dst(%dma_wait3A_190 : memref<80x128xf32, #tpu.memory_space<vmem_shared>>)
      tpu.yield
    }) : () -> ()
    %barrier3A = arith.constant 0 : index
    tpu.barrier barrier_id(%barrier3A)
    %mul3A_25 = arith.constant 10000 : i32
    %mul3A_26 = arith.muli %add3A, %mul3A_25 : i32
    %add3A_27 = arith.constant 0 : i32
    %add3A_28 = arith.addi %mul3A_26, %add3A_27 : i32
    %multiple_of3A = tpu.assume_multiple %add3A_28, 8 : i32
    %multiple_of3A_29 = arith.constant 0 : i32
    %multiple_of3A_30 = tpu.assume_multiple %multiple_of3A_29, 8 : i32
    %dma_start3A = arith.constant 0 : i32
    %dma_start3A_31 = arith.constant 0 : i32
    %dma_start3A_32 = arith.constant 0 : i32
    %dma_start3A_33 = tpu.memref_slice %arg9[%dma_start3A_31, %dma_start3A_32] : memref<80x128xf32, #tpu.memory_space<vmem>> -> memref<40x128xf32, #tpu.memory_space<vmem>>
    %dma_start3A_34 = arith.constant 0 : i32
    %dma_start3A_35 = tpu.memref_slice %arg5[%multiple_of3A, %dma_start3A_34] : memref<320000x128xf32, #tpu.memory_space<hbm>> -> memref<40x128xf32, #tpu.memory_space<hbm>>
    %dma_start3A_36 = tpu.memref_slice %arg11[%dma_start3A] : memref<2x!tpu.dma_semaphore, #tpu.memory_space<semaphore_mem>> -> memref<1x!tpu.dma_semaphore, #tpu.memory_space<semaphore_mem>>
    %dma_start3A_37 = tpu.memref_squeeze %dma_start3A_36 : memref<1x!tpu.dma_semaphore, #tpu.memory_space<semaphore_mem>> -> memref<!tpu.dma_semaphore, #tpu.memory_space<semaphore_mem>>
    %dma_start3A_38 = arith.constant 0 : i32
    %dma_start3A_39 = arith.constant 0 : i32
    %dma_start3A_40 = tpu.memref_slice %arg9[%dma_start3A_38, %dma_start3A_39] : memref<80x128xf32, #tpu.memory_space<vmem>> -> memref<40x128xf32, #tpu.memory_space<vmem>>
    %dma_start3A_41 = arith.constant 0 : i32
    %dma_start3A_42 = tpu.memref_slice %arg5[%multiple_of3A, %dma_start3A_41] : memref<320000x128xf32, #tpu.memory_space<hbm>> -> memref<40x128xf32, #tpu.memory_space<hbm>>
    tpu.enqueue_dma source(%dma_start3A_42 : memref<40x128xf32, #tpu.memory_space<hbm>>) target(%dma_start3A_40 : memref<40x128xf32, #tpu.memory_space<vmem>>) target_semaphore(%dma_start3A_37 : memref<!tpu.dma_semaphore, #tpu.memory_space<semaphore_mem>>)
    %dma_start3A_43 = arith.constant 0 : i32
    %dma_start3A_44 = arith.constant 0 : i32
    %dma_start3A_45 = arith.constant 0 : i32
    %dma_start3A_46 = tpu.memref_slice %arg14[%dma_start3A_44, %dma_start3A_45] : memref<80x128xf32, #tpu.memory_space<vmem>> -> memref<40x128xf32, #tpu.memory_space<vmem>>
    %dma_start3A_47 = tpu.memref_slice %arg13[%multiple_of3A_30] : memref<10000xi32, #tpu.memory_space<vmem>> -> memref<40xi32, #tpu.memory_space<vmem>>
    %dma_start3A_48 = arith.constant 0 : i32
    %dma_start3A_49 = arith.constant 0 : i32
    %dma_start3A_50 = tpu.memref_slice %arg2[%dma_start3A_48, %dma_start3A_49] : memref<10000x128xf32, #tpu.memory_space<hbm>> -> memref<10000x128xf32, #tpu.memory_space<hbm>>
    %dma_start3A_51 = tpu.memref_slice %arg11[%dma_start3A_43] : memref<2x!tpu.dma_semaphore, #tpu.memory_space<semaphore_mem>> -> memref<1x!tpu.dma_semaphore, #tpu.memory_space<semaphore_mem>>
    %dma_start3A_52 = tpu.memref_squeeze %dma_start3A_51 : memref<1x!tpu.dma_semaphore, #tpu.memory_space<semaphore_mem>> -> memref<!tpu.dma_semaphore, #tpu.memory_space<semaphore_mem>>
    tpu.enqueue_indirect_dma source(%dma_start3A_50 : memref<10000x128xf32, #tpu.memory_space<hbm>>) target(%dma_start3A_46 : memref<40x128xf32, #tpu.memory_space<vmem>>) offsets(%dma_start3A_47 : memref<40xi32, #tpu.memory_space<vmem>>) semaphore(%dma_start3A_52 : memref<!tpu.dma_semaphore, #tpu.memory_space<semaphore_mem>>)
    %rem3A = arith.constant 0 : i32
    %rem3A_53 = arith.constant 4 : i32
    %rem3A_54 = arith.remsi %rem3A, %rem3A_53 : i32
    %dma_start3A_55 = arith.constant 0 : i32
    %dma_start3A_56 = arith.constant 0 : i32
    %dma_start3A_57 = tpu.memref_slice %arg8[%rem3A_54, %dma_start3A_56] : memref<4x40xi32, #tpu.memory_space<vmem>> -> memref<1x40xi32, #tpu.memory_space<vmem>>
    %dma_start3A_58 = tpu.memref_squeeze %dma_start3A_57 : memref<1x40xi32, #tpu.memory_space<vmem>> -> memref<40xi32, #tpu.memory_space<vmem>>
    %dma_start3A_59 = tpu.memref_slice %arg4[%multiple_of3A] : memref<320000xi32, #tpu.memory_space<hbm>> -> memref<40xi32, #tpu.memory_space<hbm>>
    %dma_start3A_60 = tpu.memref_slice %arg11[%dma_start3A_55] : memref<2x!tpu.dma_semaphore, #tpu.memory_space<semaphore_mem>> -> memref<1x!tpu.dma_semaphore, #tpu.memory_space<semaphore_mem>>
    %dma_start3A_61 = tpu.memref_squeeze %dma_start3A_60 : memref<1x!tpu.dma_semaphore, #tpu.memory_space<semaphore_mem>> -> memref<!tpu.dma_semaphore, #tpu.memory_space<semaphore_mem>>
    %dma_start3A_62 = arith.constant 0 : i32
    %dma_start3A_63 = tpu.memref_slice %arg8[%rem3A_54, %dma_start3A_62] : memref<4x40xi32, #tpu.memory_space<vmem>> -> memref<1x40xi32, #tpu.memory_space<vmem>>
    %dma_start3A_64 = tpu.memref_squeeze %dma_start3A_63 : memref<1x40xi32, #tpu.memory_space<vmem>> -> memref<40xi32, #tpu.memory_space<vmem>>
    %dma_start3A_65 = tpu.memref_slice %arg4[%multiple_of3A] : memref<320000xi32, #tpu.memory_space<hbm>> -> memref<40xi32, #tpu.memory_space<hbm>>
    tpu.enqueue_dma source(%dma_start3A_65 : memref<40xi32, #tpu.memory_space<hbm>>) target(%dma_start3A_64 : memref<40xi32, #tpu.memory_space<vmem>>) target_semaphore(%dma_start3A_61 : memref<!tpu.dma_semaphore, #tpu.memory_space<semaphore_mem>>)
    %mul3A_66 = arith.constant 10000 : i32
    %mul3A_67 = arith.muli %add3A, %mul3A_66 : i32
    %add3A_68 = arith.constant 40 : i32
    %add3A_69 = arith.addi %mul3A_67, %add3A_68 : i32
    %multiple_of3A_70 = tpu.assume_multiple %add3A_69, 8 : i32
    %multiple_of3A_71 = arith.constant 40 : i32
    %multiple_of3A_72 = tpu.assume_multiple %multiple_of3A_71, 8 : i32
    %dma_start3A_73 = arith.constant 1 : i32
    %dma_start3A_74 = arith.constant 40 : i32
    %dma_start3A_75 = arith.constant 0 : i32
    %dma_start3A_76 = tpu.memref_slice %arg9[%dma_start3A_74, %dma_start3A_75] : memref<80x128xf32, #tpu.memory_space<vmem>> -> memref<40x128xf32, #tpu.memory_space<vmem>>
    %dma_start3A_77 = arith.constant 0 : i32
    %dma_start3A_78 = tpu.memref_slice %arg5[%multiple_of3A_70, %dma_start3A_77] : memref<320000x128xf32, #tpu.memory_space<hbm>> -> memref<40x128xf32, #tpu.memory_space<hbm>>
    %dma_start3A_79 = tpu.memref_slice %arg11[%dma_start3A_73] : memref<2x!tpu.dma_semaphore, #tpu.memory_space<semaphore_mem>> -> memref<1x!tpu.dma_semaphore, #tpu.memory_space<semaphore_mem>>
    %dma_start3A_80 = tpu.memref_squeeze %dma_start3A_79 : memref<1x!tpu.dma_semaphore, #tpu.memory_space<semaphore_mem>> -> memref<!tpu.dma_semaphore, #tpu.memory_space<semaphore_mem>>
    %dma_start3A_81 = arith.constant 40 : i32
    %dma_start3A_82 = arith.constant 0 : i32
    %dma_start3A_83 = tpu.memref_slice %arg9[%dma_start3A_81, %dma_start3A_82] : memref<80x128xf32, #tpu.memory_space<vmem>> -> memref<40x128xf32, #tpu.memory_space<vmem>>
    %dma_start3A_84 = arith.constant 0 : i32
    %dma_start3A_85 = tpu.memref_slice %arg5[%multiple_of3A_70, %dma_start3A_84] : memref<320000x128xf32, #tpu.memory_space<hbm>> -> memref<40x128xf32, #tpu.memory_space<hbm>>
    tpu.enqueue_dma source(%dma_start3A_85 : memref<40x128xf32, #tpu.memory_space<hbm>>) target(%dma_start3A_83 : memref<40x128xf32, #tpu.memory_space<vmem>>) target_semaphore(%dma_start3A_80 : memref<!tpu.dma_semaphore, #tpu.memory_space<semaphore_mem>>)
    %dma_start3A_86 = arith.constant 1 : i32
    %dma_start3A_87 = arith.constant 40 : i32
    %dma_start3A_88 = arith.constant 0 : i32
    %dma_start3A_89 = tpu.memref_slice %arg14[%dma_start3A_87, %dma_start3A_88] : memref<80x128xf32, #tpu.memory_space<vmem>> -> memref<40x128xf32, #tpu.memory_space<vmem>>
    %dma_start3A_90 = tpu.memref_slice %arg13[%multiple_of3A_72] : memref<10000xi32, #tpu.memory_space<vmem>> -> memref<40xi32, #tpu.memory_space<vmem>>
    %dma_start3A_91 = arith.constant 0 : i32
    %dma_start3A_92 = arith.constant 0 : i32
    %dma_start3A_93 = tpu.memref_slice %arg2[%dma_start3A_91, %dma_start3A_92] : memref<10000x128xf32, #tpu.memory_space<hbm>> -> memref<10000x128xf32, #tpu.memory_space<hbm>>
    %dma_start3A_94 = tpu.memref_slice %arg11[%dma_start3A_86] : memref<2x!tpu.dma_semaphore, #tpu.memory_space<semaphore_mem>> -> memref<1x!tpu.dma_semaphore, #tpu.memory_space<semaphore_mem>>
    %dma_start3A_95 = tpu.memref_squeeze %dma_start3A_94 : memref<1x!tpu.dma_semaphore, #tpu.memory_space<semaphore_mem>> -> memref<!tpu.dma_semaphore, #tpu.memory_space<semaphore_mem>>
    tpu.enqueue_indirect_dma source(%dma_start3A_93 : memref<10000x128xf32, #tpu.memory_space<hbm>>) target(%dma_start3A_89 : memref<40x128xf32, #tpu.memory_space<vmem>>) offsets(%dma_start3A_90 : memref<40xi32, #tpu.memory_space<vmem>>) semaphore(%dma_start3A_95 : memref<!tpu.dma_semaphore, #tpu.memory_space<semaphore_mem>>)
    %rem3A_96 = arith.constant 1 : i32
    %rem3A_97 = arith.constant 4 : i32
    %rem3A_98 = arith.remsi %rem3A_96, %rem3A_97 : i32
    %dma_start3A_99 = arith.constant 1 : i32
    %dma_start3A_100 = arith.constant 0 : i32
    %dma_start3A_101 = tpu.memref_slice %arg8[%rem3A_98, %dma_start3A_100] : memref<4x40xi32, #tpu.memory_space<vmem>> -> memref<1x40xi32, #tpu.memory_space<vmem>>
    %dma_start3A_102 = tpu.memref_squeeze %dma_start3A_101 : memref<1x40xi32, #tpu.memory_space<vmem>> -> memref<40xi32, #tpu.memory_space<vmem>>
    %dma_start3A_103 = tpu.memref_slice %arg4[%multiple_of3A_70] : memref<320000xi32, #tpu.memory_space<hbm>> -> memref<40xi32, #tpu.memory_space<hbm>>
    %dma_start3A_104 = tpu.memref_slice %arg11[%dma_start3A_99] : memref<2x!tpu.dma_semaphore, #tpu.memory_space<semaphore_mem>> -> memref<1x!tpu.dma_semaphore, #tpu.memory_space<semaphore_mem>>
    %dma_start3A_105 = tpu.memref_squeeze %dma_start3A_104 : memref<1x!tpu.dma_semaphore, #tpu.memory_space<semaphore_mem>> -> memref<!tpu.dma_semaphore, #tpu.memory_space<semaphore_mem>>
    %dma_start3A_106 = arith.constant 0 : i32
    %dma_start3A_107 = tpu.memref_slice %arg8[%rem3A_98, %dma_start3A_106] : memref<4x40xi32, #tpu.memory_space<vmem>> -> memref<1x40xi32, #tpu.memory_space<vmem>>
    %dma_start3A_108 = tpu.memref_squeeze %dma_start3A_107 : memref<1x40xi32, #tpu.memory_space<vmem>> -> memref<40xi32, #tpu.memory_space<vmem>>
    %dma_start3A_109 = tpu.memref_slice %arg4[%multiple_of3A_70] : memref<320000xi32, #tpu.memory_space<hbm>> -> memref<40xi32, #tpu.memory_space<hbm>>
    tpu.enqueue_dma source(%dma_start3A_109 : memref<40xi32, #tpu.memory_space<hbm>>) target(%dma_start3A_108 : memref<40xi32, #tpu.memory_space<vmem>>) target_semaphore(%dma_start3A_105 : memref<!tpu.dma_semaphore, #tpu.memory_space<semaphore_mem>>)
    %scan3A_110 = arith.constant 0 : i32
    %scan3A_111 = arith.constant 0 : i32
    %scan3A_112 = arith.constant 125 : i32
    %scan3A_113 = arith.addi %scan3A_111, %scan3A_112 : i32
    %scan3A_114 = arith.constant 1 : i32
    scf.for %scan3A_174 = %scan3A_111 to %scan3A_113 step %scan3A_114  : i32 {
      %mul3A_175 = arith.constant 2 : i32
      %mul3A_176 = arith.muli %scan3A_174, %mul3A_175 : i32
      %add3A_177 = arith.constant 0 : i32
      %add3A_178 = arith.addi %mul3A_176, %add3A_177 : i32
      %mul3A_179 = arith.constant 10000 : i32
      %mul3A_180 = arith.muli %add3A, %mul3A_179 : i32
      %mul3A_181 = arith.constant 40 : i32
      %mul3A_182 = arith.muli %add3A_178, %mul3A_181 : i32
      %add3A_183 = arith.addi %mul3A_180, %mul3A_182 : i32
      %multiple_of3A_184 = tpu.assume_multiple %add3A_183, 8 : i32
      %mul3A_185 = arith.constant 40 : i32
      %mul3A_186 = arith.muli %add3A_178, %mul3A_185 : i32
      %multiple_of3A_187 = tpu.assume_multiple %mul3A_186, 8 : i32
      %dma_wait3A_188 = arith.constant 0 : i32
      %dma_wait3A_189 = arith.constant 0 : i32
      %dma_wait3A_190 = arith.constant 0 : i32
      %dma_wait3A_191 = tpu.memref_slice %arg9[%dma_wait3A_189, %dma_wait3A_190] : memref<80x128xf32, #tpu.memory_space<vmem>> -> memref<40x128xf32, #tpu.memory_space<vmem>>
      %dma_wait3A_192 = arith.constant 0 : i32
      %dma_wait3A_193 = tpu.memref_slice %arg5[%multiple_of3A_184, %dma_wait3A_192] : memref<320000x128xf32, #tpu.memory_space<hbm>> -> memref<40x128xf32, #tpu.memory_space<hbm>>
      %dma_wait3A_194 = tpu.memref_slice %arg11[%dma_wait3A_188] : memref<2x!tpu.dma_semaphore, #tpu.memory_space<semaphore_mem>> -> memref<1x!tpu.dma_semaphore, #tpu.memory_space<semaphore_mem>>
      %dma_wait3A_195 = tpu.memref_squeeze %dma_wait3A_194 : memref<1x!tpu.dma_semaphore, #tpu.memory_space<semaphore_mem>> -> memref<!tpu.dma_semaphore, #tpu.memory_space<semaphore_mem>>
      %dma_wait3A_196 = arith.constant 0 : i32
      %dma_wait3A_197 = arith.constant 0 : i32
      %dma_wait3A_198 = tpu.memref_slice %arg9[%dma_wait3A_196, %dma_wait3A_197] : memref<80x128xf32, #tpu.memory_space<vmem>> -> memref<40x128xf32, #tpu.memory_space<vmem>>
      %dma_wait3A_199 = arith.constant 0 : i32
      %dma_wait3A_200 = tpu.memref_slice %arg5[%multiple_of3A_184, %dma_wait3A_199] : memref<320000x128xf32, #tpu.memory_space<hbm>> -> memref<40x128xf32, #tpu.memory_space<hbm>>
      tpu.wait_dma2 semaphore(%dma_wait3A_195 : memref<!tpu.dma_semaphore, #tpu.memory_space<semaphore_mem>>) src(%dma_wait3A_200 : memref<40x128xf32, #tpu.memory_space<hbm>>) dst(%dma_wait3A_198 : memref<40x128xf32, #tpu.memory_space<vmem>>)
      %dma_wait3A_201 = arith.constant 0 : i32
      %dma_wait3A_202 = arith.constant 0 : i32
      %dma_wait3A_203 = arith.constant 0 : i32
      %dma_wait3A_204 = tpu.memref_slice %arg14[%dma_wait3A_202, %dma_wait3A_203] : memref<80x128xf32, #tpu.memory_space<vmem>> -> memref<40x128xf32, #tpu.memory_space<vmem>>
      %dma_wait3A_205 = tpu.memref_slice %arg13[%multiple_of3A_187] : memref<10000xi32, #tpu.memory_space<vmem>> -> memref<40xi32, #tpu.memory_space<vmem>>
      %dma_wait3A_206 = arith.constant 0 : i32
      %dma_wait3A_207 = arith.constant 0 : i32
      %dma_wait3A_208 = tpu.memref_slice %arg2[%dma_wait3A_206, %dma_wait3A_207] : memref<10000x128xf32, #tpu.memory_space<hbm>> -> memref<10000x128xf32, #tpu.memory_space<hbm>>
      %dma_wait3A_209 = tpu.memref_slice %arg11[%dma_wait3A_201] : memref<2x!tpu.dma_semaphore, #tpu.memory_space<semaphore_mem>> -> memref<1x!tpu.dma_semaphore, #tpu.memory_space<semaphore_mem>>
      %dma_wait3A_210 = tpu.memref_squeeze %dma_wait3A_209 : memref<1x!tpu.dma_semaphore, #tpu.memory_space<semaphore_mem>> -> memref<!tpu.dma_semaphore, #tpu.memory_space<semaphore_mem>>
      tpu.wait_indirect_dma semaphore(%dma_wait3A_210 : memref<!tpu.dma_semaphore, #tpu.memory_space<semaphore_mem>>) src(%dma_wait3A_208 : memref<10000x128xf32, #tpu.memory_space<hbm>>) dst(%dma_wait3A_204 : memref<40x128xf32, #tpu.memory_space<vmem>>)
      %rem3A_211 = arith.constant 4 : i32
      %rem3A_212 = arith.remsi %add3A_178, %rem3A_211 : i32
      %dma_wait3A_213 = arith.constant 0 : i32
      %dma_wait3A_214 = arith.constant 0 : i32
      %dma_wait3A_215 = tpu.memref_slice %arg8[%rem3A_212, %dma_wait3A_214] : memref<4x40xi32, #tpu.memory_space<vmem>> -> memref<1x40xi32, #tpu.memory_space<vmem>>
      %dma_wait3A_216 = tpu.memref_squeeze %dma_wait3A_215 : memref<1x40xi32, #tpu.memory_space<vmem>> -> memref<40xi32, #tpu.memory_space<vmem>>
      %dma_wait3A_217 = tpu.memref_slice %arg4[%multiple_of3A_184] : memref<320000xi32, #tpu.memory_space<hbm>> -> memref<40xi32, #tpu.memory_space<hbm>>
      %dma_wait3A_218 = tpu.memref_slice %arg11[%dma_wait3A_213] : memref<2x!tpu.dma_semaphore, #tpu.memory_space<semaphore_mem>> -> memref<1x!tpu.dma_semaphore, #tpu.memory_space<semaphore_mem>>
      %dma_wait3A_219 = tpu.memref_squeeze %dma_wait3A_218 : memref<1x!tpu.dma_semaphore, #tpu.memory_space<semaphore_mem>> -> memref<!tpu.dma_semaphore, #tpu.memory_space<semaphore_mem>>
      %dma_wait3A_220 = arith.constant 0 : i32
      %dma_wait3A_221 = tpu.memref_slice %arg8[%rem3A_212, %dma_wait3A_220] : memref<4x40xi32, #tpu.memory_space<vmem>> -> memref<1x40xi32, #tpu.memory_space<vmem>>
      %dma_wait3A_222 = tpu.memref_squeeze %dma_wait3A_221 : memref<1x40xi32, #tpu.memory_space<vmem>> -> memref<40xi32, #tpu.memory_space<vmem>>
      %dma_wait3A_223 = tpu.memref_slice %arg4[%multiple_of3A_184] : memref<320000xi32, #tpu.memory_space<hbm>> -> memref<40xi32, #tpu.memory_space<hbm>>
      tpu.wait_dma2 semaphore(%dma_wait3A_219 : memref<!tpu.dma_semaphore, #tpu.memory_space<semaphore_mem>>) src(%dma_wait3A_223 : memref<40xi32, #tpu.memory_space<hbm>>) dst(%dma_wait3A_222 : memref<40xi32, #tpu.memory_space<vmem>>)
      %gt3A = arith.constant 0 : i32
      %gt3A_224 = arith.cmpi sgt, %scan3A_174, %gt3A : i32
      %convert_element_type3A = arith.extui %gt3A_224 : i1 to i32
      %cond3A = arith.constant 0 : i32
      %cond3A_225 = arith.cmpi ne, %convert_element_type3A, %cond3A : i32
      scf.if %cond3A_225 {
        %dma_wait3A_333 = arith.constant 0 : i32
        %dma_wait3A_334 = arith.constant 0 : i32
        %dma_wait3A_335 = arith.constant 0 : i32
        %dma_wait3A_336 = arith.constant 0 : i32
        %dma_wait3A_337 = tpu.memref_slice %arg10[%dma_wait3A_335, %dma_wait3A_336] : memref<80x128xf32, #tpu.memory_space<vmem>> -> memref<40x128xf32, #tpu.memory_space<vmem>>
        %dma_wait3A_338 = arith.constant 0 : i32
        %dma_wait3A_339 = tpu.memref_slice %arg8[%dma_wait3A_333, %dma_wait3A_338] : memref<4x40xi32, #tpu.memory_space<vmem>> -> memref<1x40xi32, #tpu.memory_space<vmem>>
        %dma_wait3A_340 = tpu.memref_squeeze %dma_wait3A_339 : memref<1x40xi32, #tpu.memory_space<vmem>> -> memref<40xi32, #tpu.memory_space<vmem>>
        %dma_wait3A_341 = arith.constant 0 : i32
        %dma_wait3A_342 = arith.constant 0 : i32
        %dma_wait3A_343 = tpu.memref_slice %arg7[%dma_wait3A_341, %dma_wait3A_342] : memref<10240x128xf32, #tpu.memory_space<vmem_shared>> -> memref<10240x128xf32, #tpu.memory_space<vmem_shared>>
        %dma_wait3A_344 = tpu.memref_slice %arg12[%dma_wait3A_334] : memref<2x!tpu.dma_semaphore, #tpu.memory_space<semaphore_mem>> -> memref<1x!tpu.dma_semaphore, #tpu.memory_space<semaphore_mem>>
        %dma_wait3A_345 = tpu.memref_squeeze %dma_wait3A_344 : memref<1x!tpu.dma_semaphore, #tpu.memory_space<semaphore_mem>> -> memref<!tpu.dma_semaphore, #tpu.memory_space<semaphore_mem>>
        tpu.wait_indirect_dma semaphore(%dma_wait3A_345 : memref<!tpu.dma_semaphore, #tpu.memory_space<semaphore_mem>>) src(%dma_wait3A_337 : memref<40x128xf32, #tpu.memory_space<vmem>>) dst(%dma_wait3A_343 : memref<10240x128xf32, #tpu.memory_space<vmem_shared>>)
      } else {
      }
      %scan3A_226 = arith.constant 0 : i32
      %scan3A_227 = arith.constant 0 : i32
      %scan3A_228 = arith.constant 40 : i32
      %scan3A_229 = arith.addi %scan3A_227, %scan3A_228 : i32
      %scan3A_230 = arith.constant 1 : i32
      scf.for %scan3A_333 = %scan3A_227 to %scan3A_229 step %scan3A_230  : i32 {
        %add3A_334 = arith.constant 0 : i32
        %add3A_335 = arith.addi %add3A_334, %scan3A_333 : i32
        %get3A = arith.index_cast %add3A_335 : i32 to index
        %get3A_336 = arith.constant 0 : index
        %get3A_337 = tpu.vector_load %arg14[%get3A, %get3A_336] {strides = array<i32>} : memref<80x128xf32, #tpu.memory_space<vmem>>, vector<1x16xf32>,
        %get3A_338 = vector.shape_cast %get3A_337 : vector<1x16xf32> to vector<16xf32>
        %get3A_339 = arith.index_cast %add3A_335 : i32 to index
        %get3A_340 = arith.constant 0 : index
        %get3A_341 = tpu.vector_load %arg9[%get3A_339, %get3A_340] {strides = array<i32>} : memref<80x128xf32, #tpu.memory_space<vmem>>, vector<1x16xf32>,
        %get3A_342 = vector.shape_cast %get3A_341 : vector<1x16xf32> to vector<16xf32>
        %add3A_343 = arith.addf %get3A_338, %get3A_342 : vector<16xf32>
        %max3A = arith.constant 0.000000e+00 : f32
        %max3A_344 = vector.broadcast %max3A : f32 to vector<16xf32>
        %max3A_345 = arith.maximumf %add3A_343, %max3A_344 : vector<16xf32>
        %swap3A = arith.index_cast %add3A_335 : i32 to index
        %swap3A_346 = arith.constant 0 : index
        %swap3A_347 = tpu.vector_load %arg10[%swap3A, %swap3A_346] {strides = array<i32>} : memref<80x128xf32, #tpu.memory_space<vmem>>, vector<1x16xf32>,
        %swap3A_348 = vector.shape_cast %swap3A_347 : vector<1x16xf32> to vector<16xf32>
        %swap3A_349 = vector.shape_cast %max3A_345 : vector<16xf32> to vector<1x16xf32>
        tpu.vector_store %arg10[%swap3A, %swap3A_346], %swap3A_349 {strides = array<i32>} : memref<80x128xf32, #tpu.memory_space<vmem>>, vector<1x16xf32>,
        %get3A_350 = arith.index_cast %add3A_335 : i32 to index
        %get3A_351 = arith.constant 16 : index
        %get3A_352 = tpu.vector_load %arg14[%get3A_350, %get3A_351] {strides = array<i32>} : memref<80x128xf32, #tpu.memory_space<vmem>>, vector<1x16xf32>,
        %get3A_353 = vector.shape_cast %get3A_352 : vector<1x16xf32> to vector<16xf32>
        %get3A_354 = arith.index_cast %add3A_335 : i32 to index
        %get3A_355 = arith.constant 16 : index
        %get3A_356 = tpu.vector_load %arg9[%get3A_354, %get3A_355] {strides = array<i32>} : memref<80x128xf32, #tpu.memory_space<vmem>>, vector<1x16xf32>,
        %get3A_357 = vector.shape_cast %get3A_356 : vector<1x16xf32> to vector<16xf32>
        %add3A_358 = arith.addf %get3A_353, %get3A_357 : vector<16xf32>
        %max3A_359 = arith.constant 0.000000e+00 : f32
        %max3A_360 = vector.broadcast %max3A_359 : f32 to vector<16xf32>
        %max3A_361 = arith.maximumf %add3A_358, %max3A_360 : vector<16xf32>
        %swap3A_362 = arith.index_cast %add3A_335 : i32 to index
        %swap3A_363 = arith.constant 16 : index
        %swap3A_364 = tpu.vector_load %arg10[%swap3A_362, %swap3A_363] {strides = array<i32>} : memref<80x128xf32, #tpu.memory_space<vmem>>, vector<1x16xf32>,
        %swap3A_365 = vector.shape_cast %swap3A_364 : vector<1x16xf32> to vector<16xf32>
        %swap3A_366 = vector.shape_cast %max3A_361 : vector<16xf32> to vector<1x16xf32>
        tpu.vector_store %arg10[%swap3A_362, %swap3A_363], %swap3A_366 {strides = array<i32>} : memref<80x128xf32, #tpu.memory_space<vmem>>, vector<1x16xf32>,
        %get3A_367 = arith.index_cast %add3A_335 : i32 to index
        %get3A_368 = arith.constant 32 : index
        %get3A_369 = tpu.vector_load %arg14[%get3A_367, %get3A_368] {strides = array<i32>} : memref<80x128xf32, #tpu.memory_space<vmem>>, vector<1x16xf32>,
        %get3A_370 = vector.shape_cast %get3A_369 : vector<1x16xf32> to vector<16xf32>
        %get3A_371 = arith.index_cast %add3A_335 : i32 to index
        %get3A_372 = arith.constant 32 : index
        %get3A_373 = tpu.vector_load %arg9[%get3A_371, %get3A_372] {strides = array<i32>} : memref<80x128xf32, #tpu.memory_space<vmem>>, vector<1x16xf32>,
        %get3A_374 = vector.shape_cast %get3A_373 : vector<1x16xf32> to vector<16xf32>
        %add3A_375 = arith.addf %get3A_370, %get3A_374 : vector<16xf32>
        %max3A_376 = arith.constant 0.000000e+00 : f32
        %max3A_377 = vector.broadcast %max3A_376 : f32 to vector<16xf32>
        %max3A_378 = arith.maximumf %add3A_375, %max3A_377 : vector<16xf32>
        %swap3A_379 = arith.index_cast %add3A_335 : i32 to index
        %swap3A_380 = arith.constant 32 : index
        %swap3A_381 = tpu.vector_load %arg10[%swap3A_379, %swap3A_380] {strides = array<i32>} : memref<80x128xf32, #tpu.memory_space<vmem>>, vector<1x16xf32>,
        %swap3A_382 = vector.shape_cast %swap3A_381 : vector<1x16xf32> to vector<16xf32>
        %swap3A_383 = vector.shape_cast %max3A_378 : vector<16xf32> to vector<1x16xf32>
        tpu.vector_store %arg10[%swap3A_379, %swap3A_380], %swap3A_383 {strides = array<i32>} : memref<80x128xf32, #tpu.memory_space<vmem>>, vector<1x16xf32>,
        %get3A_384 = arith.index_cast %add3A_335 : i32 to index
        %get3A_385 = arith.constant 48 : index
        %get3A_386 = tpu.vector_load %arg14[%get3A_384, %get3A_385] {strides = array<i32>} : memref<80x128xf32, #tpu.memory_space<vmem>>, vector<1x16xf32>,
        %get3A_387 = vector.shape_cast %get3A_386 : vector<1x16xf32> to vector<16xf32>
        %get3A_388 = arith.index_cast %add3A_335 : i32 to index
        %get3A_389 = arith.constant 48 : index
        %get3A_390 = tpu.vector_load %arg9[%get3A_388, %get3A_389] {strides = array<i32>} : memref<80x128xf32, #tpu.memory_space<vmem>>, vector<1x16xf32>,
        %get3A_391 = vector.shape_cast %get3A_390 : vector<1x16xf32> to vector<16xf32>
        %add3A_392 = arith.addf %get3A_387, %get3A_391 : vector<16xf32>
        %max3A_393 = arith.constant 0.000000e+00 : f32
        %max3A_394 = vector.broadcast %max3A_393 : f32 to vector<16xf32>
        %max3A_395 = arith.maximumf %add3A_392, %max3A_394 : vector<16xf32>
        %swap3A_396 = arith.index_cast %add3A_335 : i32 to index
        %swap3A_397 = arith.constant 48 : index
        %swap3A_398 = tpu.vector_load %arg10[%swap3A_396, %swap3A_397] {strides = array<i32>} : memref<80x128xf32, #tpu.memory_space<vmem>>, vector<1x16xf32>,
        %swap3A_399 = vector.shape_cast %swap3A_398 : vector<1x16xf32> to vector<16xf32>
        %swap3A_400 = vector.shape_cast %max3A_395 : vector<16xf32> to vector<1x16xf32>
        tpu.vector_store %arg10[%swap3A_396, %swap3A_397], %swap3A_400 {strides = array<i32>} : memref<80x128xf32, #tpu.memory_space<vmem>>, vector<1x16xf32>,
        %get3A_401 = arith.index_cast %add3A_335 : i32 to index
        %get3A_402 = arith.constant 64 : index
        %get3A_403 = tpu.vector_load %arg14[%get3A_401, %get3A_402] {strides = array<i32>} : memref<80x128xf32, #tpu.memory_space<vmem>>, vector<1x16xf32>,
        %get3A_404 = vector.shape_cast %get3A_403 : vector<1x16xf32> to vector<16xf32>
        %get3A_405 = arith.index_cast %add3A_335 : i32 to index
        %get3A_406 = arith.constant 64 : index
        %get3A_407 = tpu.vector_load %arg9[%get3A_405, %get3A_406] {strides = array<i32>} : memref<80x128xf32, #tpu.memory_space<vmem>>, vector<1x16xf32>,
        %get3A_408 = vector.shape_cast %get3A_407 : vector<1x16xf32> to vector<16xf32>
        %add3A_409 = arith.addf %get3A_404, %get3A_408 : vector<16xf32>
        %max3A_410 = arith.constant 0.000000e+00 : f32
        %max3A_411 = vector.broadcast %max3A_410 : f32 to vector<16xf32>
        %max3A_412 = arith.maximumf %add3A_409, %max3A_411 : vector<16xf32>
        %swap3A_413 = arith.index_cast %add3A_335 : i32 to index
        %swap3A_414 = arith.constant 64 : index
        %swap3A_415 = tpu.vector_load %arg10[%swap3A_413, %swap3A_414] {strides = array<i32>} : memref<80x128xf32, #tpu.memory_space<vmem>>, vector<1x16xf32>,
        %swap3A_416 = vector.shape_cast %swap3A_415 : vector<1x16xf32> to vector<16xf32>
        %swap3A_417 = vector.shape_cast %max3A_412 : vector<16xf32> to vector<1x16xf32>
        tpu.vector_store %arg10[%swap3A_413, %swap3A_414], %swap3A_417 {strides = array<i32>} : memref<80x128xf32, #tpu.memory_space<vmem>>, vector<1x16xf32>,
        %get3A_418 = arith.index_cast %add3A_335 : i32 to index
        %get3A_419 = arith.constant 80 : index
        %get3A_420 = tpu.vector_load %arg14[%get3A_418, %get3A_419] {strides = array<i32>} : memref<80x128xf32, #tpu.memory_space<vmem>>, vector<1x16xf32>,
        %get3A_421 = vector.shape_cast %get3A_420 : vector<1x16xf32> to vector<16xf32>
        %get3A_422 = arith.index_cast %add3A_335 : i32 to index
        %get3A_423 = arith.constant 80 : index
        %get3A_424 = tpu.vector_load %arg9[%get3A_422, %get3A_423] {strides = array<i32>} : memref<80x128xf32, #tpu.memory_space<vmem>>, vector<1x16xf32>,
        %get3A_425 = vector.shape_cast %get3A_424 : vector<1x16xf32> to vector<16xf32>
        %add3A_426 = arith.addf %get3A_421, %get3A_425 : vector<16xf32>
        %max3A_427 = arith.constant 0.000000e+00 : f32
        %max3A_428 = vector.broadcast %max3A_427 : f32 to vector<16xf32>
        %max3A_429 = arith.maximumf %add3A_426, %max3A_428 : vector<16xf32>
        %swap3A_430 = arith.index_cast %add3A_335 : i32 to index
        %swap3A_431 = arith.constant 80 : index
        %swap3A_432 = tpu.vector_load %arg10[%swap3A_430, %swap3A_431] {strides = array<i32>} : memref<80x128xf32, #tpu.memory_space<vmem>>, vector<1x16xf32>,
        %swap3A_433 = vector.shape_cast %swap3A_432 : vector<1x16xf32> to vector<16xf32>
        %swap3A_434 = vector.shape_cast %max3A_429 : vector<16xf32> to vector<1x16xf32>
        tpu.vector_store %arg10[%swap3A_430, %swap3A_431], %swap3A_434 {strides = array<i32>} : memref<80x128xf32, #tpu.memory_space<vmem>>, vector<1x16xf32>,
        %get3A_435 = arith.index_cast %add3A_335 : i32 to index
        %get3A_436 = arith.constant 96 : index
        %get3A_437 = tpu.vector_load %arg14[%get3A_435, %get3A_436] {strides = array<i32>} : memref<80x128xf32, #tpu.memory_space<vmem>>, vector<1x16xf32>,
        %get3A_438 = vector.shape_cast %get3A_437 : vector<1x16xf32> to vector<16xf32>
        %get3A_439 = arith.index_cast %add3A_335 : i32 to index
        %get3A_440 = arith.constant 96 : index
        %get3A_441 = tpu.vector_load %arg9[%get3A_439, %get3A_440] {strides = array<i32>} : memref<80x128xf32, #tpu.memory_space<vmem>>, vector<1x16xf32>,
        %get3A_442 = vector.shape_cast %get3A_441 : vector<1x16xf32> to vector<16xf32>
        %add3A_443 = arith.addf %get3A_438, %get3A_442 : vector<16xf32>
        %max3A_444 = arith.constant 0.000000e+00 : f32
        %max3A_445 = vector.broadcast %max3A_444 : f32 to vector<16xf32>
        %max3A_446 = arith.maximumf %add3A_443, %max3A_445 : vector<16xf32>
        %swap3A_447 = arith.index_cast %add3A_335 : i32 to index
        %swap3A_448 = arith.constant 96 : index
        %swap3A_449 = tpu.vector_load %arg10[%swap3A_447, %swap3A_448] {strides = array<i32>} : memref<80x128xf32, #tpu.memory_space<vmem>>, vector<1x16xf32>,
        %swap3A_450 = vector.shape_cast %swap3A_449 : vector<1x16xf32> to vector<16xf32>
        %swap3A_451 = vector.shape_cast %max3A_446 : vector<16xf32> to vector<1x16xf32>
        tpu.vector_store %arg10[%swap3A_447, %swap3A_448], %swap3A_451 {strides = array<i32>} : memref<80x128xf32, #tpu.memory_space<vmem>>, vector<1x16xf32>,
        %get3A_452 = arith.index_cast %add3A_335 : i32 to index
        %get3A_453 = arith.constant 112 : index
        %get3A_454 = tpu.vector_load %arg14[%get3A_452, %get3A_453] {strides = array<i32>} : memref<80x128xf32, #tpu.memory_space<vmem>>, vector<1x16xf32>,
        %get3A_455 = vector.shape_cast %get3A_454 : vector<1x16xf32> to vector<16xf32>
        %get3A_456 = arith.index_cast %add3A_335 : i32 to index
        %get3A_457 = arith.constant 112 : index
        %get3A_458 = tpu.vector_load %arg9[%get3A_456, %get3A_457] {strides = array<i32>} : memref<80x128xf32, #tpu.memory_space<vmem>>, vector<1x16xf32>,
        %get3A_459 = vector.shape_cast %get3A_458 : vector<1x16xf32> to vector<16xf32>
        %add3A_460 = arith.addf %get3A_455, %get3A_459 : vector<16xf32>
        %max3A_461 = arith.constant 0.000000e+00 : f32
        %max3A_462 = vector.broadcast %max3A_461 : f32 to vector<16xf32>
        %max3A_463 = arith.maximumf %add3A_460, %max3A_462 : vector<16xf32>
        %swap3A_464 = arith.index_cast %add3A_335 : i32 to index
        %swap3A_465 = arith.constant 112 : index
        %swap3A_466 = tpu.vector_load %arg10[%swap3A_464, %swap3A_465] {strides = array<i32>} : memref<80x128xf32, #tpu.memory_space<vmem>>, vector<1x16xf32>,
        %swap3A_467 = vector.shape_cast %swap3A_466 : vector<1x16xf32> to vector<16xf32>
        %swap3A_468 = vector.shape_cast %max3A_463 : vector<16xf32> to vector<1x16xf32>
        tpu.vector_store %arg10[%swap3A_464, %swap3A_465], %swap3A_468 {strides = array<i32>} : memref<80x128xf32, #tpu.memory_space<vmem>>, vector<1x16xf32>,
      }
      %scan3A_231 = arith.constant 40 : i32
      %rem3A_232 = arith.constant 4 : i32
      %rem3A_233 = arith.remsi %add3A_178, %rem3A_232 : i32
      %dma_start3A_234 = arith.constant 0 : i32
      %dma_start3A_235 = arith.constant 0 : i32
      %dma_start3A_236 = arith.constant 0 : i32
      %dma_start3A_237 = tpu.memref_slice %arg10[%dma_start3A_235, %dma_start3A_236] : memref<80x128xf32, #tpu.memory_space<vmem>> -> memref<40x128xf32, #tpu.memory_space<vmem>>
      %dma_start3A_238 = arith.constant 0 : i32
      %dma_start3A_239 = tpu.memref_slice %arg8[%rem3A_233, %dma_start3A_238] : memref<4x40xi32, #tpu.memory_space<vmem>> -> memref<1x40xi32, #tpu.memory_space<vmem>>
      %dma_start3A_240 = tpu.memref_squeeze %dma_start3A_239 : memref<1x40xi32, #tpu.memory_space<vmem>> -> memref<40xi32, #tpu.memory_space<vmem>>
      %dma_start3A_241 = arith.constant 0 : i32
      %dma_start3A_242 = arith.constant 0 : i32
      %dma_start3A_243 = tpu.memref_slice %arg7[%dma_start3A_241, %dma_start3A_242] : memref<10240x128xf32, #tpu.memory_space<vmem_shared>> -> memref<10240x128xf32, #tpu.memory_space<vmem_shared>>
      %dma_start3A_244 = tpu.memref_slice %arg12[%dma_start3A_234] : memref<2x!tpu.dma_semaphore, #tpu.memory_space<semaphore_mem>> -> memref<1x!tpu.dma_semaphore, #tpu.memory_space<semaphore_mem>>
      %dma_start3A_245 = tpu.memref_squeeze %dma_start3A_244 : memref<1x!tpu.dma_semaphore, #tpu.memory_space<semaphore_mem>> -> memref<!tpu.dma_semaphore, #tpu.memory_space<semaphore_mem>>
      tpu.enqueue_indirect_dma source(%dma_start3A_237 : memref<40x128xf32, #tpu.memory_space<vmem>>) target(%dma_start3A_243 : memref<10240x128xf32, #tpu.memory_space<vmem_shared>>) offsets(%dma_start3A_240 : memref<40xi32, #tpu.memory_space<vmem>>) semaphore(%dma_start3A_245 : memref<!tpu.dma_semaphore, #tpu.memory_space<semaphore_mem>>) {add = true}
      %add3A_246 = arith.constant 2 : i32
      %add3A_247 = arith.addi %add3A_178, %add3A_246 : i32
      %lt3A = arith.constant 250 : i32
      %lt3A_248 = arith.cmpi slt, %add3A_247, %lt3A : i32
      %convert_element_type3A_249 = arith.extui %lt3A_248 : i1 to i32
      %cond3A_250 = arith.constant 0 : i32
      %cond3A_251 = arith.cmpi ne, %convert_element_type3A_249, %cond3A_250 : i32
      scf.if %cond3A_251 {
        %mul3A_333 = arith.constant 10000 : i32
        %mul3A_334 = arith.muli %add3A, %mul3A_333 : i32
        %mul3A_335 = arith.constant 40 : i32
        %mul3A_336 = arith.muli %add3A_247, %mul3A_335 : i32
        %add3A_337 = arith.addi %mul3A_334, %mul3A_336 : i32
        %multiple_of3A_338 = tpu.assume_multiple %add3A_337, 8 : i32
        %mul3A_339 = arith.constant 40 : i32
        %mul3A_340 = arith.muli %add3A_247, %mul3A_339 : i32
        %multiple_of3A_341 = tpu.assume_multiple %mul3A_340, 8 : i32
        %dma_start3A_342 = arith.constant 0 : i32
        %dma_start3A_343 = arith.constant 0 : i32
        %dma_start3A_344 = arith.constant 0 : i32
        %dma_start3A_345 = tpu.memref_slice %arg9[%dma_start3A_343, %dma_start3A_344] : memref<80x128xf32, #tpu.memory_space<vmem>> -> memref<40x128xf32, #tpu.memory_space<vmem>>
        %dma_start3A_346 = arith.constant 0 : i32
        %dma_start3A_347 = tpu.memref_slice %arg5[%multiple_of3A_338, %dma_start3A_346] : memref<320000x128xf32, #tpu.memory_space<hbm>> -> memref<40x128xf32, #tpu.memory_space<hbm>>
        %dma_start3A_348 = tpu.memref_slice %arg11[%dma_start3A_342] : memref<2x!tpu.dma_semaphore, #tpu.memory_space<semaphore_mem>> -> memref<1x!tpu.dma_semaphore, #tpu.memory_space<semaphore_mem>>
        %dma_start3A_349 = tpu.memref_squeeze %dma_start3A_348 : memref<1x!tpu.dma_semaphore, #tpu.memory_space<semaphore_mem>> -> memref<!tpu.dma_semaphore, #tpu.memory_space<semaphore_mem>>
        %dma_start3A_350 = arith.constant 0 : i32
        %dma_start3A_351 = arith.constant 0 : i32
        %dma_start3A_352 = tpu.memref_slice %arg9[%dma_start3A_350, %dma_start3A_351] : memref<80x128xf32, #tpu.memory_space<vmem>> -> memref<40x128xf32, #tpu.memory_space<vmem>>
        %dma_start3A_353 = arith.constant 0 : i32
        %dma_start3A_354 = tpu.memref_slice %arg5[%multiple_of3A_338, %dma_start3A_353] : memref<320000x128xf32, #tpu.memory_space<hbm>> -> memref<40x128xf32, #tpu.memory_space<hbm>>
        tpu.enqueue_dma source(%dma_start3A_354 : memref<40x128xf32, #tpu.memory_space<hbm>>) target(%dma_start3A_352 : memref<40x128xf32, #tpu.memory_space<vmem>>) target_semaphore(%dma_start3A_349 : memref<!tpu.dma_semaphore, #tpu.memory_space<semaphore_mem>>)
        %dma_start3A_355 = arith.constant 0 : i32
        %dma_start3A_356 = arith.constant 0 : i32
        %dma_start3A_357 = arith.constant 0 : i32
        %dma_start3A_358 = tpu.memref_slice %arg14[%dma_start3A_356, %dma_start3A_357] : memref<80x128xf32, #tpu.memory_space<vmem>> -> memref<40x128xf32, #tpu.memory_space<vmem>>
        %dma_start3A_359 = tpu.memref_slice %arg13[%multiple_of3A_341] : memref<10000xi32, #tpu.memory_space<vmem>> -> memref<40xi32, #tpu.memory_space<vmem>>
        %dma_start3A_360 = arith.constant 0 : i32
        %dma_start3A_361 = arith.constant 0 : i32
        %dma_start3A_362 = tpu.memref_slice %arg2[%dma_start3A_360, %dma_start3A_361] : memref<10000x128xf32, #tpu.memory_space<hbm>> -> memref<10000x128xf32, #tpu.memory_space<hbm>>
        %dma_start3A_363 = tpu.memref_slice %arg11[%dma_start3A_355] : memref<2x!tpu.dma_semaphore, #tpu.memory_space<semaphore_mem>> -> memref<1x!tpu.dma_semaphore, #tpu.memory_space<semaphore_mem>>
        %dma_start3A_364 = tpu.memref_squeeze %dma_start3A_363 : memref<1x!tpu.dma_semaphore, #tpu.memory_space<semaphore_mem>> -> memref<!tpu.dma_semaphore, #tpu.memory_space<semaphore_mem>>
        tpu.enqueue_indirect_dma source(%dma_start3A_362 : memref<10000x128xf32, #tpu.memory_space<hbm>>) target(%dma_start3A_358 : memref<40x128xf32, #tpu.memory_space<vmem>>) offsets(%dma_start3A_359 : memref<40xi32, #tpu.memory_space<vmem>>) semaphore(%dma_start3A_364 : memref<!tpu.dma_semaphore, #tpu.memory_space<semaphore_mem>>)
        %rem3A_365 = arith.constant 4 : i32
        %rem3A_366 = arith.remsi %add3A_247, %rem3A_365 : i32
        %dma_start3A_367 = arith.constant 0 : i32
        %dma_start3A_368 = arith.constant 0 : i32
        %dma_start3A_369 = tpu.memref_slice %arg8[%rem3A_366, %dma_start3A_368] : memref<4x40xi32, #tpu.memory_space<vmem>> -> memref<1x40xi32, #tpu.memory_space<vmem>>
        %dma_start3A_370 = tpu.memref_squeeze %dma_start3A_369 : memref<1x40xi32, #tpu.memory_space<vmem>> -> memref<40xi32, #tpu.memory_space<vmem>>
        %dma_start3A_371 = tpu.memref_slice %arg4[%multiple_of3A_338] : memref<320000xi32, #tpu.memory_space<hbm>> -> memref<40xi32, #tpu.memory_space<hbm>>
        %dma_start3A_372 = tpu.memref_slice %arg11[%dma_start3A_367] : memref<2x!tpu.dma_semaphore, #tpu.memory_space<semaphore_mem>> -> memref<1x!tpu.dma_semaphore, #tpu.memory_space<semaphore_mem>>
        %dma_start3A_373 = tpu.memref_squeeze %dma_start3A_372 : memref<1x!tpu.dma_semaphore, #tpu.memory_space<semaphore_mem>> -> memref<!tpu.dma_semaphore, #tpu.memory_space<semaphore_mem>>
        %dma_start3A_374 = arith.constant 0 : i32
        %dma_start3A_375 = tpu.memref_slice %arg8[%rem3A_366, %dma_start3A_374] : memref<4x40xi32, #tpu.memory_space<vmem>> -> memref<1x40xi32, #tpu.memory_space<vmem>>
        %dma_start3A_376 = tpu.memref_squeeze %dma_start3A_375 : memref<1x40xi32, #tpu.memory_space<vmem>> -> memref<40xi32, #tpu.memory_space<vmem>>
        %dma_start3A_377 = tpu.memref_slice %arg4[%multiple_of3A_338] : memref<320000xi32, #tpu.memory_space<hbm>> -> memref<40xi32, #tpu.memory_space<hbm>>
        tpu.enqueue_dma source(%dma_start3A_377 : memref<40xi32, #tpu.memory_space<hbm>>) target(%dma_start3A_376 : memref<40xi32, #tpu.memory_space<vmem>>) target_semaphore(%dma_start3A_373 : memref<!tpu.dma_semaphore, #tpu.memory_space<semaphore_mem>>)
      } else {
      }
      %mul3A_252 = arith.constant 2 : i32
      %mul3A_253 = arith.muli %scan3A_174, %mul3A_252 : i32
      %add3A_254 = arith.constant 1 : i32
      %add3A_255 = arith.addi %mul3A_253, %add3A_254 : i32
      %mul3A_256 = arith.constant 10000 : i32
      %mul3A_257 = arith.muli %add3A, %mul3A_256 : i32
      %mul3A_258 = arith.constant 40 : i32
      %mul3A_259 = arith.muli %add3A_255, %mul3A_258 : i32
      %add3A_260 = arith.addi %mul3A_257, %mul3A_259 : i32
      %multiple_of3A_261 = tpu.assume_multiple %add3A_260, 8 : i32
      %mul3A_262 = arith.constant 40 : i32
      %mul3A_263 = arith.muli %add3A_255, %mul3A_262 : i32
      %multiple_of3A_264 = tpu.assume_multiple %mul3A_263, 8 : i32
      %dma_wait3A_265 = arith.constant 1 : i32
      %dma_wait3A_266 = arith.constant 40 : i32
      %dma_wait3A_267 = arith.constant 0 : i32
      %dma_wait3A_268 = tpu.memref_slice %arg9[%dma_wait3A_266, %dma_wait3A_267] : memref<80x128xf32, #tpu.memory_space<vmem>> -> memref<40x128xf32, #tpu.memory_space<vmem>>
      %dma_wait3A_269 = arith.constant 0 : i32
      %dma_wait3A_270 = tpu.memref_slice %arg5[%multiple_of3A_261, %dma_wait3A_269] : memref<320000x128xf32, #tpu.memory_space<hbm>> -> memref<40x128xf32, #tpu.memory_space<hbm>>
      %dma_wait3A_271 = tpu.memref_slice %arg11[%dma_wait3A_265] : memref<2x!tpu.dma_semaphore, #tpu.memory_space<semaphore_mem>> -> memref<1x!tpu.dma_semaphore, #tpu.memory_space<semaphore_mem>>
      %dma_wait3A_272 = tpu.memref_squeeze %dma_wait3A_271 : memref<1x!tpu.dma_semaphore, #tpu.memory_space<semaphore_mem>> -> memref<!tpu.dma_semaphore, #tpu.memory_space<semaphore_mem>>
      %dma_wait3A_273 = arith.constant 40 : i32
      %dma_wait3A_274 = arith.constant 0 : i32
      %dma_wait3A_275 = tpu.memref_slice %arg9[%dma_wait3A_273, %dma_wait3A_274] : memref<80x128xf32, #tpu.memory_space<vmem>> -> memref<40x128xf32, #tpu.memory_space<vmem>>
      %dma_wait3A_276 = arith.constant 0 : i32
      %dma_wait3A_277 = tpu.memref_slice %arg5[%multiple_of3A_261, %dma_wait3A_276] : memref<320000x128xf32, #tpu.memory_space<hbm>> -> memref<40x128xf32, #tpu.memory_space<hbm>>
      tpu.wait_dma2 semaphore(%dma_wait3A_272 : memref<!tpu.dma_semaphore, #tpu.memory_space<semaphore_mem>>) src(%dma_wait3A_277 : memref<40x128xf32, #tpu.memory_space<hbm>>) dst(%dma_wait3A_275 : memref<40x128xf32, #tpu.memory_space<vmem>>)
      %dma_wait3A_278 = arith.constant 1 : i32
      %dma_wait3A_279 = arith.constant 40 : i32
      %dma_wait3A_280 = arith.constant 0 : i32
      %dma_wait3A_281 = tpu.memref_slice %arg14[%dma_wait3A_279, %dma_wait3A_280] : memref<80x128xf32, #tpu.memory_space<vmem>> -> memref<40x128xf32, #tpu.memory_space<vmem>>
      %dma_wait3A_282 = tpu.memref_slice %arg13[%multiple_of3A_264] : memref<10000xi32, #tpu.memory_space<vmem>> -> memref<40xi32, #tpu.memory_space<vmem>>
      %dma_wait3A_283 = arith.constant 0 : i32
      %dma_wait3A_284 = arith.constant 0 : i32
      %dma_wait3A_285 = tpu.memref_slice %arg2[%dma_wait3A_283, %dma_wait3A_284] : memref<10000x128xf32, #tpu.memory_space<hbm>> -> memref<10000x128xf32, #tpu.memory_space<hbm>>
      %dma_wait3A_286 = tpu.memref_slice %arg11[%dma_wait3A_278] : memref<2x!tpu.dma_semaphore, #tpu.memory_space<semaphore_mem>> -> memref<1x!tpu.dma_semaphore, #tpu.memory_space<semaphore_mem>>
      %dma_wait3A_287 = tpu.memref_squeeze %dma_wait3A_286 : memref<1x!tpu.dma_semaphore, #tpu.memory_space<semaphore_mem>> -> memref<!tpu.dma_semaphore, #tpu.memory_space<semaphore_mem>>
      tpu.wait_indirect_dma semaphore(%dma_wait3A_287 : memref<!tpu.dma_semaphore, #tpu.memory_space<semaphore_mem>>) src(%dma_wait3A_285 : memref<10000x128xf32, #tpu.memory_space<hbm>>) dst(%dma_wait3A_281 : memref<40x128xf32, #tpu.memory_space<vmem>>)
      %rem3A_288 = arith.constant 4 : i32
      %rem3A_289 = arith.remsi %add3A_255, %rem3A_288 : i32
      %dma_wait3A_290 = arith.constant 1 : i32
      %dma_wait3A_291 = arith.constant 0 : i32
      %dma_wait3A_292 = tpu.memref_slice %arg8[%rem3A_289, %dma_wait3A_291] : memref<4x40xi32, #tpu.memory_space<vmem>> -> memref<1x40xi32, #tpu.memory_space<vmem>>
      %dma_wait3A_293 = tpu.memref_squeeze %dma_wait3A_292 : memref<1x40xi32, #tpu.memory_space<vmem>> -> memref<40xi32, #tpu.memory_space<vmem>>
      %dma_wait3A_294 = tpu.memref_slice %arg4[%multiple_of3A_261] : memref<320000xi32, #tpu.memory_space<hbm>> -> memref<40xi32, #tpu.memory_space<hbm>>
      %dma_wait3A_295 = tpu.memref_slice %arg11[%dma_wait3A_290] : memref<2x!tpu.dma_semaphore, #tpu.memory_space<semaphore_mem>> -> memref<1x!tpu.dma_semaphore, #tpu.memory_space<semaphore_mem>>
      %dma_wait3A_296 = tpu.memref_squeeze %dma_wait3A_295 : memref<1x!tpu.dma_semaphore, #tpu.memory_space<semaphore_mem>> -> memref<!tpu.dma_semaphore, #tpu.memory_space<semaphore_mem>>
      %dma_wait3A_297 = arith.constant 0 : i32
      %dma_wait3A_298 = tpu.memref_slice %arg8[%rem3A_289, %dma_wait3A_297] : memref<4x40xi32, #tpu.memory_space<vmem>> -> memref<1x40xi32, #tpu.memory_space<vmem>>
      %dma_wait3A_299 = tpu.memref_squeeze %dma_wait3A_298 : memref<1x40xi32, #tpu.memory_space<vmem>> -> memref<40xi32, #tpu.memory_space<vmem>>
      %dma_wait3A_300 = tpu.memref_slice %arg4[%multiple_of3A_261] : memref<320000xi32, #tpu.memory_space<hbm>> -> memref<40xi32, #tpu.memory_space<hbm>>
      tpu.wait_dma2 semaphore(%dma_wait3A_296 : memref<!tpu.dma_semaphore, #tpu.memory_space<semaphore_mem>>) src(%dma_wait3A_300 : memref<40xi32, #tpu.memory_space<hbm>>) dst(%dma_wait3A_299 : memref<40xi32, #tpu.memory_space<vmem>>)
      %gt3A_301 = arith.constant 0 : i32
      %gt3A_302 = arith.cmpi sgt, %scan3A_174, %gt3A_301 : i32
      %convert_element_type3A_303 = arith.extui %gt3A_302 : i1 to i32
      %cond3A_304 = arith.constant 0 : i32
      %cond3A_305 = arith.cmpi ne, %convert_element_type3A_303, %cond3A_304 : i32
      scf.if %cond3A_305 {
        %dma_wait3A_333 = arith.constant 0 : i32
        %dma_wait3A_334 = arith.constant 1 : i32
        %dma_wait3A_335 = arith.constant 40 : i32
        %dma_wait3A_336 = arith.constant 0 : i32
        %dma_wait3A_337 = tpu.memref_slice %arg10[%dma_wait3A_335, %dma_wait3A_336] : memref<80x128xf32, #tpu.memory_space<vmem>> -> memref<40x128xf32, #tpu.memory_space<vmem>>
        %dma_wait3A_338 = arith.constant 0 : i32
        %dma_wait3A_339 = tpu.memref_slice %arg8[%dma_wait3A_333, %dma_wait3A_338] : memref<4x40xi32, #tpu.memory_space<vmem>> -> memref<1x40xi32, #tpu.memory_space<vmem>>
        %dma_wait3A_340 = tpu.memref_squeeze %dma_wait3A_339 : memref<1x40xi32, #tpu.memory_space<vmem>> -> memref<40xi32, #tpu.memory_space<vmem>>
        %dma_wait3A_341 = arith.constant 0 : i32
        %dma_wait3A_342 = arith.constant 0 : i32
        %dma_wait3A_343 = tpu.memref_slice %arg7[%dma_wait3A_341, %dma_wait3A_342] : memref<10240x128xf32, #tpu.memory_space<vmem_shared>> -> memref<10240x128xf32, #tpu.memory_space<vmem_shared>>
        %dma_wait3A_344 = tpu.memref_slice %arg12[%dma_wait3A_334] : memref<2x!tpu.dma_semaphore, #tpu.memory_space<semaphore_mem>> -> memref<1x!tpu.dma_semaphore, #tpu.memory_space<semaphore_mem>>
        %dma_wait3A_345 = tpu.memref_squeeze %dma_wait3A_344 : memref<1x!tpu.dma_semaphore, #tpu.memory_space<semaphore_mem>> -> memref<!tpu.dma_semaphore, #tpu.memory_space<semaphore_mem>>
        tpu.wait_indirect_dma semaphore(%dma_wait3A_345 : memref<!tpu.dma_semaphore, #tpu.memory_space<semaphore_mem>>) src(%dma_wait3A_337 : memref<40x128xf32, #tpu.memory_space<vmem>>) dst(%dma_wait3A_343 : memref<10240x128xf32, #tpu.memory_space<vmem_shared>>)
      } else {
      }
      %scan3A_306 = arith.constant 0 : i32
      %scan3A_307 = arith.constant 0 : i32
      %scan3A_308 = arith.constant 40 : i32
      %scan3A_309 = arith.addi %scan3A_307, %scan3A_308 : i32
      %scan3A_310 = arith.constant 1 : i32
      scf.for %scan3A_333 = %scan3A_307 to %scan3A_309 step %scan3A_310  : i32 {
        %add3A_334 = arith.constant 40 : i32
        %add3A_335 = arith.addi %add3A_334, %scan3A_333 : i32
        %get3A = arith.index_cast %add3A_335 : i32 to index
        %get3A_336 = arith.constant 0 : index
        %get3A_337 = tpu.vector_load %arg14[%get3A, %get3A_336] {strides = array<i32>} : memref<80x128xf32, #tpu.memory_space<vmem>>, vector<1x16xf32>,
        %get3A_338 = vector.shape_cast %get3A_337 : vector<1x16xf32> to vector<16xf32>
        %get3A_339 = arith.index_cast %add3A_335 : i32 to index
        %get3A_340 = arith.constant 0 : index
        %get3A_341 = tpu.vector_load %arg9[%get3A_339, %get3A_340] {strides = array<i32>} : memref<80x128xf32, #tpu.memory_space<vmem>>, vector<1x16xf32>,
        %get3A_342 = vector.shape_cast %get3A_341 : vector<1x16xf32> to vector<16xf32>
        %add3A_343 = arith.addf %get3A_338, %get3A_342 : vector<16xf32>
        %max3A = arith.constant 0.000000e+00 : f32
        %max3A_344 = vector.broadcast %max3A : f32 to vector<16xf32>
        %max3A_345 = arith.maximumf %add3A_343, %max3A_344 : vector<16xf32>
        %swap3A = arith.index_cast %add3A_335 : i32 to index
        %swap3A_346 = arith.constant 0 : index
        %swap3A_347 = tpu.vector_load %arg10[%swap3A, %swap3A_346] {strides = array<i32>} : memref<80x128xf32, #tpu.memory_space<vmem>>, vector<1x16xf32>,
        %swap3A_348 = vector.shape_cast %swap3A_347 : vector<1x16xf32> to vector<16xf32>
        %swap3A_349 = vector.shape_cast %max3A_345 : vector<16xf32> to vector<1x16xf32>
        tpu.vector_store %arg10[%swap3A, %swap3A_346], %swap3A_349 {strides = array<i32>} : memref<80x128xf32, #tpu.memory_space<vmem>>, vector<1x16xf32>,
        %get3A_350 = arith.index_cast %add3A_335 : i32 to index
        %get3A_351 = arith.constant 16 : index
        %get3A_352 = tpu.vector_load %arg14[%get3A_350, %get3A_351] {strides = array<i32>} : memref<80x128xf32, #tpu.memory_space<vmem>>, vector<1x16xf32>,
        %get3A_353 = vector.shape_cast %get3A_352 : vector<1x16xf32> to vector<16xf32>
        %get3A_354 = arith.index_cast %add3A_335 : i32 to index
        %get3A_355 = arith.constant 16 : index
        %get3A_356 = tpu.vector_load %arg9[%get3A_354, %get3A_355] {strides = array<i32>} : memref<80x128xf32, #tpu.memory_space<vmem>>, vector<1x16xf32>,
        %get3A_357 = vector.shape_cast %get3A_356 : vector<1x16xf32> to vector<16xf32>
        %add3A_358 = arith.addf %get3A_353, %get3A_357 : vector<16xf32>
        %max3A_359 = arith.constant 0.000000e+00 : f32
        %max3A_360 = vector.broadcast %max3A_359 : f32 to vector<16xf32>
        %max3A_361 = arith.maximumf %add3A_358, %max3A_360 : vector<16xf32>
        %swap3A_362 = arith.index_cast %add3A_335 : i32 to index
        %swap3A_363 = arith.constant 16 : index
        %swap3A_364 = tpu.vector_load %arg10[%swap3A_362, %swap3A_363] {strides = array<i32>} : memref<80x128xf32, #tpu.memory_space<vmem>>, vector<1x16xf32>,
        %swap3A_365 = vector.shape_cast %swap3A_364 : vector<1x16xf32> to vector<16xf32>
        %swap3A_366 = vector.shape_cast %max3A_361 : vector<16xf32> to vector<1x16xf32>
        tpu.vector_store %arg10[%swap3A_362, %swap3A_363], %swap3A_366 {strides = array<i32>} : memref<80x128xf32, #tpu.memory_space<vmem>>, vector<1x16xf32>,
        %get3A_367 = arith.index_cast %add3A_335 : i32 to index
        %get3A_368 = arith.constant 32 : index
        %get3A_369 = tpu.vector_load %arg14[%get3A_367, %get3A_368] {strides = array<i32>} : memref<80x128xf32, #tpu.memory_space<vmem>>, vector<1x16xf32>,
        %get3A_370 = vector.shape_cast %get3A_369 : vector<1x16xf32> to vector<16xf32>
        %get3A_371 = arith.index_cast %add3A_335 : i32 to index
        %get3A_372 = arith.constant 32 : index
        %get3A_373 = tpu.vector_load %arg9[%get3A_371, %get3A_372] {strides = array<i32>} : memref<80x128xf32, #tpu.memory_space<vmem>>, vector<1x16xf32>,
        %get3A_374 = vector.shape_cast %get3A_373 : vector<1x16xf32> to vector<16xf32>
        %add3A_375 = arith.addf %get3A_370, %get3A_374 : vector<16xf32>
        %max3A_376 = arith.constant 0.000000e+00 : f32
        %max3A_377 = vector.broadcast %max3A_376 : f32 to vector<16xf32>
        %max3A_378 = arith.maximumf %add3A_375, %max3A_377 : vector<16xf32>
        %swap3A_379 = arith.index_cast %add3A_335 : i32 to index
        %swap3A_380 = arith.constant 32 : index
        %swap3A_381 = tpu.vector_load %arg10[%swap3A_379, %swap3A_380] {strides = array<i32>} : memref<80x128xf32, #tpu.memory_space<vmem>>, vector<1x16xf32>,
        %swap3A_382 = vector.shape_cast %swap3A_381 : vector<1x16xf32> to vector<16xf32>
        %swap3A_383 = vector.shape_cast %max3A_378 : vector<16xf32> to vector<1x16xf32>
        tpu.vector_store %arg10[%swap3A_379, %swap3A_380], %swap3A_383 {strides = array<i32>} : memref<80x128xf32, #tpu.memory_space<vmem>>, vector<1x16xf32>,
        %get3A_384 = arith.index_cast %add3A_335 : i32 to index
        %get3A_385 = arith.constant 48 : index
        %get3A_386 = tpu.vector_load %arg14[%get3A_384, %get3A_385] {strides = array<i32>} : memref<80x128xf32, #tpu.memory_space<vmem>>, vector<1x16xf32>,
        %get3A_387 = vector.shape_cast %get3A_386 : vector<1x16xf32> to vector<16xf32>
        %get3A_388 = arith.index_cast %add3A_335 : i32 to index
        %get3A_389 = arith.constant 48 : index
        %get3A_390 = tpu.vector_load %arg9[%get3A_388, %get3A_389] {strides = array<i32>} : memref<80x128xf32, #tpu.memory_space<vmem>>, vector<1x16xf32>,
        %get3A_391 = vector.shape_cast %get3A_390 : vector<1x16xf32> to vector<16xf32>
        %add3A_392 = arith.addf %get3A_387, %get3A_391 : vector<16xf32>
        %max3A_393 = arith.constant 0.000000e+00 : f32
        %max3A_394 = vector.broadcast %max3A_393 : f32 to vector<16xf32>
        %max3A_395 = arith.maximumf %add3A_392, %max3A_394 : vector<16xf32>
        %swap3A_396 = arith.index_cast %add3A_335 : i32 to index
        %swap3A_397 = arith.constant 48 : index
        %swap3A_398 = tpu.vector_load %arg10[%swap3A_396, %swap3A_397] {strides = array<i32>} : memref<80x128xf32, #tpu.memory_space<vmem>>, vector<1x16xf32>,
        %swap3A_399 = vector.shape_cast %swap3A_398 : vector<1x16xf32> to vector<16xf32>
        %swap3A_400 = vector.shape_cast %max3A_395 : vector<16xf32> to vector<1x16xf32>
        tpu.vector_store %arg10[%swap3A_396, %swap3A_397], %swap3A_400 {strides = array<i32>} : memref<80x128xf32, #tpu.memory_space<vmem>>, vector<1x16xf32>,
        %get3A_401 = arith.index_cast %add3A_335 : i32 to index
        %get3A_402 = arith.constant 64 : index
        %get3A_403 = tpu.vector_load %arg14[%get3A_401, %get3A_402] {strides = array<i32>} : memref<80x128xf32, #tpu.memory_space<vmem>>, vector<1x16xf32>,
        %get3A_404 = vector.shape_cast %get3A_403 : vector<1x16xf32> to vector<16xf32>
        %get3A_405 = arith.index_cast %add3A_335 : i32 to index
        %get3A_406 = arith.constant 64 : index
        %get3A_407 = tpu.vector_load %arg9[%get3A_405, %get3A_406] {strides = array<i32>} : memref<80x128xf32, #tpu.memory_space<vmem>>, vector<1x16xf32>,
        %get3A_408 = vector.shape_cast %get3A_407 : vector<1x16xf32> to vector<16xf32>
        %add3A_409 = arith.addf %get3A_404, %get3A_408 : vector<16xf32>
        %max3A_410 = arith.constant 0.000000e+00 : f32
        %max3A_411 = vector.broadcast %max3A_410 : f32 to vector<16xf32>
        %max3A_412 = arith.maximumf %add3A_409, %max3A_411 : vector<16xf32>
        %swap3A_413 = arith.index_cast %add3A_335 : i32 to index
        %swap3A_414 = arith.constant 64 : index
        %swap3A_415 = tpu.vector_load %arg10[%swap3A_413, %swap3A_414] {strides = array<i32>} : memref<80x128xf32, #tpu.memory_space<vmem>>, vector<1x16xf32>,
        %swap3A_416 = vector.shape_cast %swap3A_415 : vector<1x16xf32> to vector<16xf32>
        %swap3A_417 = vector.shape_cast %max3A_412 : vector<16xf32> to vector<1x16xf32>
        tpu.vector_store %arg10[%swap3A_413, %swap3A_414], %swap3A_417 {strides = array<i32>} : memref<80x128xf32, #tpu.memory_space<vmem>>, vector<1x16xf32>,
        %get3A_418 = arith.index_cast %add3A_335 : i32 to index
        %get3A_419 = arith.constant 80 : index
        %get3A_420 = tpu.vector_load %arg14[%get3A_418, %get3A_419] {strides = array<i32>} : memref<80x128xf32, #tpu.memory_space<vmem>>, vector<1x16xf32>,
        %get3A_421 = vector.shape_cast %get3A_420 : vector<1x16xf32> to vector<16xf32>
        %get3A_422 = arith.index_cast %add3A_335 : i32 to index
        %get3A_423 = arith.constant 80 : index
        %get3A_424 = tpu.vector_load %arg9[%get3A_422, %get3A_423] {strides = array<i32>} : memref<80x128xf32, #tpu.memory_space<vmem>>, vector<1x16xf32>,
        %get3A_425 = vector.shape_cast %get3A_424 : vector<1x16xf32> to vector<16xf32>
        %add3A_426 = arith.addf %get3A_421, %get3A_425 : vector<16xf32>
        %max3A_427 = arith.constant 0.000000e+00 : f32
        %max3A_428 = vector.broadcast %max3A_427 : f32 to vector<16xf32>
        %max3A_429 = arith.maximumf %add3A_426, %max3A_428 : vector<16xf32>
        %swap3A_430 = arith.index_cast %add3A_335 : i32 to index
        %swap3A_431 = arith.constant 80 : index
        %swap3A_432 = tpu.vector_load %arg10[%swap3A_430, %swap3A_431] {strides = array<i32>} : memref<80x128xf32, #tpu.memory_space<vmem>>, vector<1x16xf32>,
        %swap3A_433 = vector.shape_cast %swap3A_432 : vector<1x16xf32> to vector<16xf32>
        %swap3A_434 = vector.shape_cast %max3A_429 : vector<16xf32> to vector<1x16xf32>
        tpu.vector_store %arg10[%swap3A_430, %swap3A_431], %swap3A_434 {strides = array<i32>} : memref<80x128xf32, #tpu.memory_space<vmem>>, vector<1x16xf32>,
        %get3A_435 = arith.index_cast %add3A_335 : i32 to index
        %get3A_436 = arith.constant 96 : index
        %get3A_437 = tpu.vector_load %arg14[%get3A_435, %get3A_436] {strides = array<i32>} : memref<80x128xf32, #tpu.memory_space<vmem>>, vector<1x16xf32>,
        %get3A_438 = vector.shape_cast %get3A_437 : vector<1x16xf32> to vector<16xf32>
        %get3A_439 = arith.index_cast %add3A_335 : i32 to index
        %get3A_440 = arith.constant 96 : index
        %get3A_441 = tpu.vector_load %arg9[%get3A_439, %get3A_440] {strides = array<i32>} : memref<80x128xf32, #tpu.memory_space<vmem>>, vector<1x16xf32>,
        %get3A_442 = vector.shape_cast %get3A_441 : vector<1x16xf32> to vector<16xf32>
        %add3A_443 = arith.addf %get3A_438, %get3A_442 : vector<16xf32>
        %max3A_444 = arith.constant 0.000000e+00 : f32
        %max3A_445 = vector.broadcast %max3A_444 : f32 to vector<16xf32>
        %max3A_446 = arith.maximumf %add3A_443, %max3A_445 : vector<16xf32>
        %swap3A_447 = arith.index_cast %add3A_335 : i32 to index
        %swap3A_448 = arith.constant 96 : index
        %swap3A_449 = tpu.vector_load %arg10[%swap3A_447, %swap3A_448] {strides = array<i32>} : memref<80x128xf32, #tpu.memory_space<vmem>>, vector<1x16xf32>,
        %swap3A_450 = vector.shape_cast %swap3A_449 : vector<1x16xf32> to vector<16xf32>
        %swap3A_451 = vector.shape_cast %max3A_446 : vector<16xf32> to vector<1x16xf32>
        tpu.vector_store %arg10[%swap3A_447, %swap3A_448], %swap3A_451 {strides = array<i32>} : memref<80x128xf32, #tpu.memory_space<vmem>>, vector<1x16xf32>,
        %get3A_452 = arith.index_cast %add3A_335 : i32 to index
        %get3A_453 = arith.constant 112 : index
        %get3A_454 = tpu.vector_load %arg14[%get3A_452, %get3A_453] {strides = array<i32>} : memref<80x128xf32, #tpu.memory_space<vmem>>, vector<1x16xf32>,
        %get3A_455 = vector.shape_cast %get3A_454 : vector<1x16xf32> to vector<16xf32>
        %get3A_456 = arith.index_cast %add3A_335 : i32 to index
        %get3A_457 = arith.constant 112 : index
        %get3A_458 = tpu.vector_load %arg9[%get3A_456, %get3A_457] {strides = array<i32>} : memref<80x128xf32, #tpu.memory_space<vmem>>, vector<1x16xf32>,
        %get3A_459 = vector.shape_cast %get3A_458 : vector<1x16xf32> to vector<16xf32>
        %add3A_460 = arith.addf %get3A_455, %get3A_459 : vector<16xf32>
        %max3A_461 = arith.constant 0.000000e+00 : f32
        %max3A_462 = vector.broadcast %max3A_461 : f32 to vector<16xf32>
        %max3A_463 = arith.maximumf %add3A_460, %max3A_462 : vector<16xf32>
        %swap3A_464 = arith.index_cast %add3A_335 : i32 to index
        %swap3A_465 = arith.constant 112 : index
        %swap3A_466 = tpu.vector_load %arg10[%swap3A_464, %swap3A_465] {strides = array<i32>} : memref<80x128xf32, #tpu.memory_space<vmem>>, vector<1x16xf32>,
        %swap3A_467 = vector.shape_cast %swap3A_466 : vector<1x16xf32> to vector<16xf32>
        %swap3A_468 = vector.shape_cast %max3A_463 : vector<16xf32> to vector<1x16xf32>
        tpu.vector_store %arg10[%swap3A_464, %swap3A_465], %swap3A_468 {strides = array<i32>} : memref<80x128xf32, #tpu.memory_space<vmem>>, vector<1x16xf32>,
      }
      %scan3A_311 = arith.constant 40 : i32
      %rem3A_312 = arith.constant 4 : i32
      %rem3A_313 = arith.remsi %add3A_255, %rem3A_312 : i32
      %dma_start3A_314 = arith.constant 1 : i32
      %dma_start3A_315 = arith.constant 40 : i32
      %dma_start3A_316 = arith.constant 0 : i32
      %dma_start3A_317 = tpu.memref_slice %arg10[%dma_start3A_315, %dma_start3A_316] : memref<80x128xf32, #tpu.memory_space<vmem>> -> memref<40x128xf32, #tpu.memory_space<vmem>>
      %dma_start3A_318 = arith.constant 0 : i32
      %dma_start3A_319 = tpu.memref_slice %arg8[%rem3A_313, %dma_start3A_318] : memref<4x40xi32, #tpu.memory_space<vmem>> -> memref<1x40xi32, #tpu.memory_space<vmem>>
      %dma_start3A_320 = tpu.memref_squeeze %dma_start3A_319 : memref<1x40xi32, #tpu.memory_space<vmem>> -> memref<40xi32, #tpu.memory_space<vmem>>
      %dma_start3A_321 = arith.constant 0 : i32
      %dma_start3A_322 = arith.constant 0 : i32
      %dma_start3A_323 = tpu.memref_slice %arg7[%dma_start3A_321, %dma_start3A_322] : memref<10240x128xf32, #tpu.memory_space<vmem_shared>> -> memref<10240x128xf32, #tpu.memory_space<vmem_shared>>
      %dma_start3A_324 = tpu.memref_slice %arg12[%dma_start3A_314] : memref<2x!tpu.dma_semaphore, #tpu.memory_space<semaphore_mem>> -> memref<1x!tpu.dma_semaphore, #tpu.memory_space<semaphore_mem>>
      %dma_start3A_325 = tpu.memref_squeeze %dma_start3A_324 : memref<1x!tpu.dma_semaphore, #tpu.memory_space<semaphore_mem>> -> memref<!tpu.dma_semaphore, #tpu.memory_space<semaphore_mem>>
      tpu.enqueue_indirect_dma source(%dma_start3A_317 : memref<40x128xf32, #tpu.memory_space<vmem>>) target(%dma_start3A_323 : memref<10240x128xf32, #tpu.memory_space<vmem_shared>>) offsets(%dma_start3A_320 : memref<40xi32, #tpu.memory_space<vmem>>) semaphore(%dma_start3A_325 : memref<!tpu.dma_semaphore, #tpu.memory_space<semaphore_mem>>) {add = true}
      %add3A_326 = arith.constant 2 : i32
      %add3A_327 = arith.addi %add3A_255, %add3A_326 : i32
      %lt3A_328 = arith.constant 250 : i32
      %lt3A_329 = arith.cmpi slt, %add3A_327, %lt3A_328 : i32
      %convert_element_type3A_330 = arith.extui %lt3A_329 : i1 to i32
      %cond3A_331 = arith.constant 0 : i32
      %cond3A_332 = arith.cmpi ne, %convert_element_type3A_330, %cond3A_331 : i32
      scf.if %cond3A_332 {
        %mul3A_333 = arith.constant 10000 : i32
        %mul3A_334 = arith.muli %add3A, %mul3A_333 : i32
        %mul3A_335 = arith.constant 40 : i32
        %mul3A_336 = arith.muli %add3A_327, %mul3A_335 : i32
        %add3A_337 = arith.addi %mul3A_334, %mul3A_336 : i32
        %multiple_of3A_338 = tpu.assume_multiple %add3A_337, 8 : i32
        %mul3A_339 = arith.constant 40 : i32
        %mul3A_340 = arith.muli %add3A_327, %mul3A_339 : i32
        %multiple_of3A_341 = tpu.assume_multiple %mul3A_340, 8 : i32
        %dma_start3A_342 = arith.constant 1 : i32
        %dma_start3A_343 = arith.constant 40 : i32
        %dma_start3A_344 = arith.constant 0 : i32
        %dma_start3A_345 = tpu.memref_slice %arg9[%dma_start3A_343, %dma_start3A_344] : memref<80x128xf32, #tpu.memory_space<vmem>> -> memref<40x128xf32, #tpu.memory_space<vmem>>
        %dma_start3A_346 = arith.constant 0 : i32
        %dma_start3A_347 = tpu.memref_slice %arg5[%multiple_of3A_338, %dma_start3A_346] : memref<320000x128xf32, #tpu.memory_space<hbm>> -> memref<40x128xf32, #tpu.memory_space<hbm>>
        %dma_start3A_348 = tpu.memref_slice %arg11[%dma_start3A_342] : memref<2x!tpu.dma_semaphore, #tpu.memory_space<semaphore_mem>> -> memref<1x!tpu.dma_semaphore, #tpu.memory_space<semaphore_mem>>
        %dma_start3A_349 = tpu.memref_squeeze %dma_start3A_348 : memref<1x!tpu.dma_semaphore, #tpu.memory_space<semaphore_mem>> -> memref<!tpu.dma_semaphore, #tpu.memory_space<semaphore_mem>>
        %dma_start3A_350 = arith.constant 40 : i32
        %dma_start3A_351 = arith.constant 0 : i32
        %dma_start3A_352 = tpu.memref_slice %arg9[%dma_start3A_350, %dma_start3A_351] : memref<80x128xf32, #tpu.memory_space<vmem>> -> memref<40x128xf32, #tpu.memory_space<vmem>>
        %dma_start3A_353 = arith.constant 0 : i32
        %dma_start3A_354 = tpu.memref_slice %arg5[%multiple_of3A_338, %dma_start3A_353] : memref<320000x128xf32, #tpu.memory_space<hbm>> -> memref<40x128xf32, #tpu.memory_space<hbm>>
        tpu.enqueue_dma source(%dma_start3A_354 : memref<40x128xf32, #tpu.memory_space<hbm>>) target(%dma_start3A_352 : memref<40x128xf32, #tpu.memory_space<vmem>>) target_semaphore(%dma_start3A_349 : memref<!tpu.dma_semaphore, #tpu.memory_space<semaphore_mem>>)
        %dma_start3A_355 = arith.constant 1 : i32
        %dma_start3A_356 = arith.constant 40 : i32
        %dma_start3A_357 = arith.constant 0 : i32
        %dma_start3A_358 = tpu.memref_slice %arg14[%dma_start3A_356, %dma_start3A_357] : memref<80x128xf32, #tpu.memory_space<vmem>> -> memref<40x128xf32, #tpu.memory_space<vmem>>
        %dma_start3A_359 = tpu.memref_slice %arg13[%multiple_of3A_341] : memref<10000xi32, #tpu.memory_space<vmem>> -> memref<40xi32, #tpu.memory_space<vmem>>
        %dma_start3A_360 = arith.constant 0 : i32
        %dma_start3A_361 = arith.constant 0 : i32
        %dma_start3A_362 = tpu.memref_slice %arg2[%dma_start3A_360, %dma_start3A_361] : memref<10000x128xf32, #tpu.memory_space<hbm>> -> memref<10000x128xf32, #tpu.memory_space<hbm>>
        %dma_start3A_363 = tpu.memref_slice %arg11[%dma_start3A_355] : memref<2x!tpu.dma_semaphore, #tpu.memory_space<semaphore_mem>> -> memref<1x!tpu.dma_semaphore, #tpu.memory_space<semaphore_mem>>
        %dma_start3A_364 = tpu.memref_squeeze %dma_start3A_363 : memref<1x!tpu.dma_semaphore, #tpu.memory_space<semaphore_mem>> -> memref<!tpu.dma_semaphore, #tpu.memory_space<semaphore_mem>>
        tpu.enqueue_indirect_dma source(%dma_start3A_362 : memref<10000x128xf32, #tpu.memory_space<hbm>>) target(%dma_start3A_358 : memref<40x128xf32, #tpu.memory_space<vmem>>) offsets(%dma_start3A_359 : memref<40xi32, #tpu.memory_space<vmem>>) semaphore(%dma_start3A_364 : memref<!tpu.dma_semaphore, #tpu.memory_space<semaphore_mem>>)
        %rem3A_365 = arith.constant 4 : i32
        %rem3A_366 = arith.remsi %add3A_327, %rem3A_365 : i32
        %dma_start3A_367 = arith.constant 1 : i32
        %dma_start3A_368 = arith.constant 0 : i32
        %dma_start3A_369 = tpu.memref_slice %arg8[%rem3A_366, %dma_start3A_368] : memref<4x40xi32, #tpu.memory_space<vmem>> -> memref<1x40xi32, #tpu.memory_space<vmem>>
        %dma_start3A_370 = tpu.memref_squeeze %dma_start3A_369 : memref<1x40xi32, #tpu.memory_space<vmem>> -> memref<40xi32, #tpu.memory_space<vmem>>
        %dma_start3A_371 = tpu.memref_slice %arg4[%multiple_of3A_338] : memref<320000xi32, #tpu.memory_space<hbm>> -> memref<40xi32, #tpu.memory_space<hbm>>
        %dma_start3A_372 = tpu.memref_slice %arg11[%dma_start3A_367] : memref<2x!tpu.dma_semaphore, #tpu.memory_space<semaphore_mem>> -> memref<1x!tpu.dma_semaphore, #tpu.memory_space<semaphore_mem>>
        %dma_start3A_373 = tpu.memref_squeeze %dma_start3A_372 : memref<1x!tpu.dma_semaphore, #tpu.memory_space<semaphore_mem>> -> memref<!tpu.dma_semaphore, #tpu.memory_space<semaphore_mem>>
        %dma_start3A_374 = arith.constant 0 : i32
        %dma_start3A_375 = tpu.memref_slice %arg8[%rem3A_366, %dma_start3A_374] : memref<4x40xi32, #tpu.memory_space<vmem>> -> memref<1x40xi32, #tpu.memory_space<vmem>>
        %dma_start3A_376 = tpu.memref_squeeze %dma_start3A_375 : memref<1x40xi32, #tpu.memory_space<vmem>> -> memref<40xi32, #tpu.memory_space<vmem>>
        %dma_start3A_377 = tpu.memref_slice %arg4[%multiple_of3A_338] : memref<320000xi32, #tpu.memory_space<hbm>> -> memref<40xi32, #tpu.memory_space<hbm>>
        tpu.enqueue_dma source(%dma_start3A_377 : memref<40xi32, #tpu.memory_space<hbm>>) target(%dma_start3A_376 : memref<40xi32, #tpu.memory_space<vmem>>) target_semaphore(%dma_start3A_373 : memref<!tpu.dma_semaphore, #tpu.memory_space<semaphore_mem>>)
      } else {
      }
    }
    %scan3A_115 = arith.constant 125 : i32
    %dma_wait3A = arith.constant 0 : i32
    %dma_wait3A_116 = arith.constant 0 : i32
    %dma_wait3A_117 = arith.constant 0 : i32
    %dma_wait3A_118 = arith.constant 0 : i32
    %dma_wait3A_119 = tpu.memref_slice %arg10[%dma_wait3A_117, %dma_wait3A_118] : memref<80x128xf32, #tpu.memory_space<vmem>> -> memref<40x128xf32, #tpu.memory_space<vmem>>
    %dma_wait3A_120 = arith.constant 0 : i32
    %dma_wait3A_121 = tpu.memref_slice %arg8[%dma_wait3A, %dma_wait3A_120] : memref<4x40xi32, #tpu.memory_space<vmem>> -> memref<1x40xi32, #tpu.memory_space<vmem>>
    %dma_wait3A_122 = tpu.memref_squeeze %dma_wait3A_121 : memref<1x40xi32, #tpu.memory_space<vmem>> -> memref<40xi32, #tpu.memory_space<vmem>>
    %dma_wait3A_123 = arith.constant 0 : i32
    %dma_wait3A_124 = arith.constant 0 : i32
    %dma_wait3A_125 = tpu.memref_slice %arg7[%dma_wait3A_123, %dma_wait3A_124] : memref<10240x128xf32, #tpu.memory_space<vmem_shared>> -> memref<10240x128xf32, #tpu.memory_space<vmem_shared>>
    %dma_wait3A_126 = tpu.memref_slice %arg12[%dma_wait3A_116] : memref<2x!tpu.dma_semaphore, #tpu.memory_space<semaphore_mem>> -> memref<1x!tpu.dma_semaphore, #tpu.memory_space<semaphore_mem>>
    %dma_wait3A_127 = tpu.memref_squeeze %dma_wait3A_126 : memref<1x!tpu.dma_semaphore, #tpu.memory_space<semaphore_mem>> -> memref<!tpu.dma_semaphore, #tpu.memory_space<semaphore_mem>>
    tpu.wait_indirect_dma semaphore(%dma_wait3A_127 : memref<!tpu.dma_semaphore, #tpu.memory_space<semaphore_mem>>) src(%dma_wait3A_119 : memref<40x128xf32, #tpu.memory_space<vmem>>) dst(%dma_wait3A_125 : memref<10240x128xf32, #tpu.memory_space<vmem_shared>>)
    %dma_wait3A_128 = arith.constant 0 : i32
    %dma_wait3A_129 = arith.constant 1 : i32
    %dma_wait3A_130 = arith.constant 40 : i32
    %dma_wait3A_131 = arith.constant 0 : i32
    %dma_wait3A_132 = tpu.memref_slice %arg10[%dma_wait3A_130, %dma_wait3A_131] : memref<80x128xf32, #tpu.memory_space<vmem>> -> memref<40x128xf32, #tpu.memory_space<vmem>>
    %dma_wait3A_133 = arith.constant 0 : i32
    %dma_wait3A_134 = tpu.memref_slice %arg8[%dma_wait3A_128, %dma_wait3A_133] : memref<4x40xi32, #tpu.memory_space<vmem>> -> memref<1x40xi32, #tpu.memory_space<vmem>>
    %dma_wait3A_135 = tpu.memref_squeeze %dma_wait3A_134 : memref<1x40xi32, #tpu.memory_space<vmem>> -> memref<40xi32, #tpu.memory_space<vmem>>
    %dma_wait3A_136 = arith.constant 0 : i32
    %dma_wait3A_137 = arith.constant 0 : i32
    %dma_wait3A_138 = tpu.memref_slice %arg7[%dma_wait3A_136, %dma_wait3A_137] : memref<10240x128xf32, #tpu.memory_space<vmem_shared>> -> memref<10240x128xf32, #tpu.memory_space<vmem_shared>>
    %dma_wait3A_139 = tpu.memref_slice %arg12[%dma_wait3A_129] : memref<2x!tpu.dma_semaphore, #tpu.memory_space<semaphore_mem>> -> memref<1x!tpu.dma_semaphore, #tpu.memory_space<semaphore_mem>>
    %dma_wait3A_140 = tpu.memref_squeeze %dma_wait3A_139 : memref<1x!tpu.dma_semaphore, #tpu.memory_space<semaphore_mem>> -> memref<!tpu.dma_semaphore, #tpu.memory_space<semaphore_mem>>
    tpu.wait_indirect_dma semaphore(%dma_wait3A_140 : memref<!tpu.dma_semaphore, #tpu.memory_space<semaphore_mem>>) src(%dma_wait3A_132 : memref<40x128xf32, #tpu.memory_space<vmem>>) dst(%dma_wait3A_138 : memref<10240x128xf32, #tpu.memory_space<vmem_shared>>)
    %barrier3A_141 = arith.constant 0 : index
    tpu.barrier barrier_id(%barrier3A_141)
    %add3A_142 = arith.constant 0 : i32
    %add3A_143 = arith.addi %mul3A_8, %add3A_142 : i32
    %add3A_144 = arith.constant 0 : i32
    %add3A_145 = arith.addi %mul3A_8, %add3A_144 : i32
    "tpu.region"() ({
      %run_scoped3A = tpu.sem_alloc : memref<!tpu.dma_semaphore, #tpu.memory_space<semaphore_mem>>
      %dma_start3A_174 = arith.constant 0 : i32
      %dma_start3A_175 = tpu.memref_slice %arg6[%arg0, %add3A_145, %dma_start3A_174] : memref<2x10240x128xf32, #tpu.memory_space<hbm>> -> memref<1x80x128xf32, #tpu.memory_space<hbm>>
      %dma_start3A_176 = tpu.memref_squeeze %dma_start3A_175 : memref<1x80x128xf32, #tpu.memory_space<hbm>> -> memref<80x128xf32, #tpu.memory_space<hbm>>
      %dma_start3A_177 = arith.constant 0 : i32
      %dma_start3A_178 = tpu.memref_slice %arg7[%add3A_143, %dma_start3A_177] : memref<10240x128xf32, #tpu.memory_space<vmem_shared>> -> memref<80x128xf32, #tpu.memory_space<vmem_shared>>
      tpu.enqueue_dma source(%dma_start3A_178 : memref<80x128xf32, #tpu.memory_space<vmem_shared>>) target(%dma_start3A_176 : memref<80x128xf32, #tpu.memory_space<hbm>>) target_semaphore(%run_scoped3A : memref<!tpu.dma_semaphore, #tpu.memory_space<semaphore_mem>>)
      %dma_wait3A_179 = arith.constant 0 : i32
      %dma_wait3A_180 = tpu.memref_slice %arg6[%arg0, %add3A_145, %dma_wait3A_179] : memref<2x10240x128xf32, #tpu.memory_space<hbm>> -> memref<1x80x128xf32, #tpu.memory_space<hbm>>
      %dma_wait3A_181 = tpu.memref_squeeze %dma_wait3A_180 : memref<1x80x128xf32, #tpu.memory_space<hbm>> -> memref<80x128xf32, #tpu.memory_space<hbm>>
      %dma_wait3A_182 = arith.constant 0 : i32
      %dma_wait3A_183 = tpu.memref_slice %arg7[%add3A_143, %dma_wait3A_182] : memref<10240x128xf32, #tpu.memory_space<vmem_shared>> -> memref<80x128xf32, #tpu.memory_space<vmem_shared>>
      tpu.wait_dma2 semaphore(%run_scoped3A : memref<!tpu.dma_semaphore, #tpu.memory_space<semaphore_mem>>) src(%dma_wait3A_183 : memref<80x128xf32, #tpu.memory_space<vmem_shared>>) dst(%dma_wait3A_181 : memref<80x128xf32, #tpu.memory_space<hbm>>)
      tpu.yield
    }) : () -> ()
    %add3A_146 = arith.constant 80 : i32
    %add3A_147 = arith.addi %mul3A_8, %add3A_146 : i32
    %add3A_148 = arith.constant 80 : i32
    %add3A_149 = arith.addi %mul3A_8, %add3A_148 : i32
    "tpu.region"() ({
      %run_scoped3A = tpu.sem_alloc : memref<!tpu.dma_semaphore, #tpu.memory_space<semaphore_mem>>
      %dma_start3A_174 = arith.constant 0 : i32
      %dma_start3A_175 = tpu.memref_slice %arg6[%arg0, %add3A_149, %dma_start3A_174] : memref<2x10240x128xf32, #tpu.memory_space<hbm>> -> memref<1x80x128xf32, #tpu.memory_space<hbm>>
      %dma_start3A_176 = tpu.memref_squeeze %dma_start3A_175 : memref<1x80x128xf32, #tpu.memory_space<hbm>> -> memref<80x128xf32, #tpu.memory_space<hbm>>
      %dma_start3A_177 = arith.constant 0 : i32
      %dma_start3A_178 = tpu.memref_slice %arg7[%add3A_147, %dma_start3A_177] : memref<10240x128xf32, #tpu.memory_space<vmem_shared>> -> memref<80x128xf32, #tpu.memory_space<vmem_shared>>
      tpu.enqueue_dma source(%dma_start3A_178 : memref<80x128xf32, #tpu.memory_space<vmem_shared>>) target(%dma_start3A_176 : memref<80x128xf32, #tpu.memory_space<hbm>>) target_semaphore(%run_scoped3A : memref<!tpu.dma_semaphore, #tpu.memory_space<semaphore_mem>>)
      %dma_wait3A_179 = arith.constant 0 : i32
      %dma_wait3A_180 = tpu.memref_slice %arg6[%arg0, %add3A_149, %dma_wait3A_179] : memref<2x10240x128xf32, #tpu.memory_space<hbm>> -> memref<1x80x128xf32, #tpu.memory_space<hbm>>
      %dma_wait3A_181 = tpu.memref_squeeze %dma_wait3A_180 : memref<1x80x128xf32, #tpu.memory_space<hbm>> -> memref<80x128xf32, #tpu.memory_space<hbm>>
      %dma_wait3A_182 = arith.constant 0 : i32
      %dma_wait3A_183 = tpu.memref_slice %arg7[%add3A_147, %dma_wait3A_182] : memref<10240x128xf32, #tpu.memory_space<vmem_shared>> -> memref<80x128xf32, #tpu.memory_space<vmem_shared>>
      tpu.wait_dma2 semaphore(%run_scoped3A : memref<!tpu.dma_semaphore, #tpu.memory_space<semaphore_mem>>) src(%dma_wait3A_183 : memref<80x128xf32, #tpu.memory_space<vmem_shared>>) dst(%dma_wait3A_181 : memref<80x128xf32, #tpu.memory_space<hbm>>)
      tpu.yield
    }) : () -> ()
    %add3A_150 = arith.constant 160 : i32
    %add3A_151 = arith.addi %mul3A_8, %add3A_150 : i32
    %add3A_152 = arith.constant 160 : i32
    %add3A_153 = arith.addi %mul3A_8, %add3A_152 : i32
    "tpu.region"() ({
      %run_scoped3A = tpu.sem_alloc : memref<!tpu.dma_semaphore, #tpu.memory_space<semaphore_mem>>
      %dma_start3A_174 = arith.constant 0 : i32
      %dma_start3A_175 = tpu.memref_slice %arg6[%arg0, %add3A_153, %dma_start3A_174] : memref<2x10240x128xf32, #tpu.memory_space<hbm>> -> memref<1x80x128xf32, #tpu.memory_space<hbm>>
      %dma_start3A_176 = tpu.memref_squeeze %dma_start3A_175 : memref<1x80x128xf32, #tpu.memory_space<hbm>> -> memref<80x128xf32, #tpu.memory_space<hbm>>
      %dma_start3A_177 = arith.constant 0 : i32
      %dma_start3A_178 = tpu.memref_slice %arg7[%add3A_151, %dma_start3A_177] : memref<10240x128xf32, #tpu.memory_space<vmem_shared>> -> memref<80x128xf32, #tpu.memory_space<vmem_shared>>
      tpu.enqueue_dma source(%dma_start3A_178 : memref<80x128xf32, #tpu.memory_space<vmem_shared>>) target(%dma_start3A_176 : memref<80x128xf32, #tpu.memory_space<hbm>>) target_semaphore(%run_scoped3A : memref<!tpu.dma_semaphore, #tpu.memory_space<semaphore_mem>>)
      %dma_wait3A_179 = arith.constant 0 : i32
      %dma_wait3A_180 = tpu.memref_slice %arg6[%arg0, %add3A_153, %dma_wait3A_179] : memref<2x10240x128xf32, #tpu.memory_space<hbm>> -> memref<1x80x128xf32, #tpu.memory_space<hbm>>
      %dma_wait3A_181 = tpu.memref_squeeze %dma_wait3A_180 : memref<1x80x128xf32, #tpu.memory_space<hbm>> -> memref<80x128xf32, #tpu.memory_space<hbm>>
      %dma_wait3A_182 = arith.constant 0 : i32
      %dma_wait3A_183 = tpu.memref_slice %arg7[%add3A_151, %dma_wait3A_182] : memref<10240x128xf32, #tpu.memory_space<vmem_shared>> -> memref<80x128xf32, #tpu.memory_space<vmem_shared>>
      tpu.wait_dma2 semaphore(%run_scoped3A : memref<!tpu.dma_semaphore, #tpu.memory_space<semaphore_mem>>) src(%dma_wait3A_183 : memref<80x128xf32, #tpu.memory_space<vmem_shared>>) dst(%dma_wait3A_181 : memref<80x128xf32, #tpu.memory_space<hbm>>)
      tpu.yield
    }) : () -> ()
    %add3A_154 = arith.constant 240 : i32
    %add3A_155 = arith.addi %mul3A_8, %add3A_154 : i32
    %add3A_156 = arith.constant 240 : i32
    %add3A_157 = arith.addi %mul3A_8, %add3A_156 : i32
    "tpu.region"() ({
      %run_scoped3A = tpu.sem_alloc : memref<!tpu.dma_semaphore, #tpu.memory_space<semaphore_mem>>
      %dma_start3A_174 = arith.constant 0 : i32
      %dma_start3A_175 = tpu.memref_slice %arg6[%arg0, %add3A_157, %dma_start3A_174] : memref<2x10240x128xf32, #tpu.memory_space<hbm>> -> memref<1x80x128xf32, #tpu.memory_space<hbm>>
      %dma_start3A_176 = tpu.memref_squeeze %dma_start3A_175 : memref<1x80x128xf32, #tpu.memory_space<hbm>> -> memref<80x128xf32, #tpu.memory_space<hbm>>
      %dma_start3A_177 = arith.constant 0 : i32
      %dma_start3A_178 = tpu.memref_slice %arg7[%add3A_155, %dma_start3A_177] : memref<10240x128xf32, #tpu.memory_space<vmem_shared>> -> memref<80x128xf32, #tpu.memory_space<vmem_shared>>
      tpu.enqueue_dma source(%dma_start3A_178 : memref<80x128xf32, #tpu.memory_space<vmem_shared>>) target(%dma_start3A_176 : memref<80x128xf32, #tpu.memory_space<hbm>>) target_semaphore(%run_scoped3A : memref<!tpu.dma_semaphore, #tpu.memory_space<semaphore_mem>>)
      %dma_wait3A_179 = arith.constant 0 : i32
      %dma_wait3A_180 = tpu.memref_slice %arg6[%arg0, %add3A_157, %dma_wait3A_179] : memref<2x10240x128xf32, #tpu.memory_space<hbm>> -> memref<1x80x128xf32, #tpu.memory_space<hbm>>
      %dma_wait3A_181 = tpu.memref_squeeze %dma_wait3A_180 : memref<1x80x128xf32, #tpu.memory_space<hbm>> -> memref<80x128xf32, #tpu.memory_space<hbm>>
      %dma_wait3A_182 = arith.constant 0 : i32
      %dma_wait3A_183 = tpu.memref_slice %arg7[%add3A_155, %dma_wait3A_182] : memref<10240x128xf32, #tpu.memory_space<vmem_shared>> -> memref<80x128xf32, #tpu.memory_space<vmem_shared>>
      tpu.wait_dma2 semaphore(%run_scoped3A : memref<!tpu.dma_semaphore, #tpu.memory_space<semaphore_mem>>) src(%dma_wait3A_183 : memref<80x128xf32, #tpu.memory_space<vmem_shared>>) dst(%dma_wait3A_181 : memref<80x128xf32, #tpu.memory_space<hbm>>)
      tpu.yield
    }) : () -> ()
    %add3A_158 = arith.constant 320 : i32
    %add3A_159 = arith.addi %mul3A_8, %add3A_158 : i32
    %add3A_160 = arith.constant 320 : i32
    %add3A_161 = arith.addi %mul3A_8, %add3A_160 : i32
    "tpu.region"() ({
      %run_scoped3A = tpu.sem_alloc : memref<!tpu.dma_semaphore, #tpu.memory_space<semaphore_mem>>
      %dma_start3A_174 = arith.constant 0 : i32
      %dma_start3A_175 = tpu.memref_slice %arg6[%arg0, %add3A_161, %dma_start3A_174] : memref<2x10240x128xf32, #tpu.memory_space<hbm>> -> memref<1x80x128xf32, #tpu.memory_space<hbm>>
      %dma_start3A_176 = tpu.memref_squeeze %dma_start3A_175 : memref<1x80x128xf32, #tpu.memory_space<hbm>> -> memref<80x128xf32, #tpu.memory_space<hbm>>
      %dma_start3A_177 = arith.constant 0 : i32
      %dma_start3A_178 = tpu.memref_slice %arg7[%add3A_159, %dma_start3A_177] : memref<10240x128xf32, #tpu.memory_space<vmem_shared>> -> memref<80x128xf32, #tpu.memory_space<vmem_shared>>
      tpu.enqueue_dma source(%dma_start3A_178 : memref<80x128xf32, #tpu.memory_space<vmem_shared>>) target(%dma_start3A_176 : memref<80x128xf32, #tpu.memory_space<hbm>>) target_semaphore(%run_scoped3A : memref<!tpu.dma_semaphore, #tpu.memory_space<semaphore_mem>>)
      %dma_wait3A_179 = arith.constant 0 : i32
      %dma_wait3A_180 = tpu.memref_slice %arg6[%arg0, %add3A_161, %dma_wait3A_179] : memref<2x10240x128xf32, #tpu.memory_space<hbm>> -> memref<1x80x128xf32, #tpu.memory_space<hbm>>
      %dma_wait3A_181 = tpu.memref_squeeze %dma_wait3A_180 : memref<1x80x128xf32, #tpu.memory_space<hbm>> -> memref<80x128xf32, #tpu.memory_space<hbm>>
      %dma_wait3A_182 = arith.constant 0 : i32
      %dma_wait3A_183 = tpu.memref_slice %arg7[%add3A_159, %dma_wait3A_182] : memref<10240x128xf32, #tpu.memory_space<vmem_shared>> -> memref<80x128xf32, #tpu.memory_space<vmem_shared>>
      tpu.wait_dma2 semaphore(%run_scoped3A : memref<!tpu.dma_semaphore, #tpu.memory_space<semaphore_mem>>) src(%dma_wait3A_183 : memref<80x128xf32, #tpu.memory_space<vmem_shared>>) dst(%dma_wait3A_181 : memref<80x128xf32, #tpu.memory_space<hbm>>)
      tpu.yield
    }) : () -> ()
    %add3A_162 = arith.constant 400 : i32
    %add3A_163 = arith.addi %mul3A_8, %add3A_162 : i32
    %add3A_164 = arith.constant 400 : i32
    %add3A_165 = arith.addi %mul3A_8, %add3A_164 : i32
    "tpu.region"() ({
      %run_scoped3A = tpu.sem_alloc : memref<!tpu.dma_semaphore, #tpu.memory_space<semaphore_mem>>
      %dma_start3A_174 = arith.constant 0 : i32
      %dma_start3A_175 = tpu.memref_slice %arg6[%arg0, %add3A_165, %dma_start3A_174] : memref<2x10240x128xf32, #tpu.memory_space<hbm>> -> memref<1x80x128xf32, #tpu.memory_space<hbm>>
      %dma_start3A_176 = tpu.memref_squeeze %dma_start3A_175 : memref<1x80x128xf32, #tpu.memory_space<hbm>> -> memref<80x128xf32, #tpu.memory_space<hbm>>
      %dma_start3A_177 = arith.constant 0 : i32
      %dma_start3A_178 = tpu.memref_slice %arg7[%add3A_163, %dma_start3A_177] : memref<10240x128xf32, #tpu.memory_space<vmem_shared>> -> memref<80x128xf32, #tpu.memory_space<vmem_shared>>
      tpu.enqueue_dma source(%dma_start3A_178 : memref<80x128xf32, #tpu.memory_space<vmem_shared>>) target(%dma_start3A_176 : memref<80x128xf32, #tpu.memory_space<hbm>>) target_semaphore(%run_scoped3A : memref<!tpu.dma_semaphore, #tpu.memory_space<semaphore_mem>>)
      %dma_wait3A_179 = arith.constant 0 : i32
      %dma_wait3A_180 = tpu.memref_slice %arg6[%arg0, %add3A_165, %dma_wait3A_179] : memref<2x10240x128xf32, #tpu.memory_space<hbm>> -> memref<1x80x128xf32, #tpu.memory_space<hbm>>
      %dma_wait3A_181 = tpu.memref_squeeze %dma_wait3A_180 : memref<1x80x128xf32, #tpu.memory_space<hbm>> -> memref<80x128xf32, #tpu.memory_space<hbm>>
      %dma_wait3A_182 = arith.constant 0 : i32
      %dma_wait3A_183 = tpu.memref_slice %arg7[%add3A_163, %dma_wait3A_182] : memref<10240x128xf32, #tpu.memory_space<vmem_shared>> -> memref<80x128xf32, #tpu.memory_space<vmem_shared>>
      tpu.wait_dma2 semaphore(%run_scoped3A : memref<!tpu.dma_semaphore, #tpu.memory_space<semaphore_mem>>) src(%dma_wait3A_183 : memref<80x128xf32, #tpu.memory_space<vmem_shared>>) dst(%dma_wait3A_181 : memref<80x128xf32, #tpu.memory_space<hbm>>)
      tpu.yield
    }) : () -> ()
    %add3A_166 = arith.constant 480 : i32
    %add3A_167 = arith.addi %mul3A_8, %add3A_166 : i32
    %add3A_168 = arith.constant 480 : i32
    %add3A_169 = arith.addi %mul3A_8, %add3A_168 : i32
    "tpu.region"() ({
      %run_scoped3A = tpu.sem_alloc : memref<!tpu.dma_semaphore, #tpu.memory_space<semaphore_mem>>
      %dma_start3A_174 = arith.constant 0 : i32
      %dma_start3A_175 = tpu.memref_slice %arg6[%arg0, %add3A_169, %dma_start3A_174] : memref<2x10240x128xf32, #tpu.memory_space<hbm>> -> memref<1x80x128xf32, #tpu.memory_space<hbm>>
      %dma_start3A_176 = tpu.memref_squeeze %dma_start3A_175 : memref<1x80x128xf32, #tpu.memory_space<hbm>> -> memref<80x128xf32, #tpu.memory_space<hbm>>
      %dma_start3A_177 = arith.constant 0 : i32
      %dma_start3A_178 = tpu.memref_slice %arg7[%add3A_167, %dma_start3A_177] : memref<10240x128xf32, #tpu.memory_space<vmem_shared>> -> memref<80x128xf32, #tpu.memory_space<vmem_shared>>
      tpu.enqueue_dma source(%dma_start3A_178 : memref<80x128xf32, #tpu.memory_space<vmem_shared>>) target(%dma_start3A_176 : memref<80x128xf32, #tpu.memory_space<hbm>>) target_semaphore(%run_scoped3A : memref<!tpu.dma_semaphore, #tpu.memory_space<semaphore_mem>>)
      %dma_wait3A_179 = arith.constant 0 : i32
      %dma_wait3A_180 = tpu.memref_slice %arg6[%arg0, %add3A_169, %dma_wait3A_179] : memref<2x10240x128xf32, #tpu.memory_space<hbm>> -> memref<1x80x128xf32, #tpu.memory_space<hbm>>
      %dma_wait3A_181 = tpu.memref_squeeze %dma_wait3A_180 : memref<1x80x128xf32, #tpu.memory_space<hbm>> -> memref<80x128xf32, #tpu.memory_space<hbm>>
      %dma_wait3A_182 = arith.constant 0 : i32
      %dma_wait3A_183 = tpu.memref_slice %arg7[%add3A_167, %dma_wait3A_182] : memref<10240x128xf32, #tpu.memory_space<vmem_shared>> -> memref<80x128xf32, #tpu.memory_space<vmem_shared>>
      tpu.wait_dma2 semaphore(%run_scoped3A : memref<!tpu.dma_semaphore, #tpu.memory_space<semaphore_mem>>) src(%dma_wait3A_183 : memref<80x128xf32, #tpu.memory_space<vmem_shared>>) dst(%dma_wait3A_181 : memref<80x128xf32, #tpu.memory_space<hbm>>)
      tpu.yield
    }) : () -> ()
    %add3A_170 = arith.constant 560 : i32
    %add3A_171 = arith.addi %mul3A_8, %add3A_170 : i32
    %add3A_172 = arith.constant 560 : i32
    %add3A_173 = arith.addi %mul3A_8, %add3A_172 : i32
    "tpu.region"() ({
      %run_scoped3A = tpu.sem_alloc : memref<!tpu.dma_semaphore, #tpu.memory_space<semaphore_mem>>
      %dma_start3A_174 = arith.constant 0 : i32
      %dma_start3A_175 = tpu.memref_slice %arg6[%arg0, %add3A_173, %dma_start3A_174] : memref<2x10240x128xf32, #tpu.memory_space<hbm>> -> memref<1x80x128xf32, #tpu.memory_space<hbm>>
      %dma_start3A_176 = tpu.memref_squeeze %dma_start3A_175 : memref<1x80x128xf32, #tpu.memory_space<hbm>> -> memref<80x128xf32, #tpu.memory_space<hbm>>
      %dma_start3A_177 = arith.constant 0 : i32
      %dma_start3A_178 = tpu.memref_slice %arg7[%add3A_171, %dma_start3A_177] : memref<10240x128xf32, #tpu.memory_space<vmem_shared>> -> memref<80x128xf32, #tpu.memory_space<vmem_shared>>
      tpu.enqueue_dma source(%dma_start3A_178 : memref<80x128xf32, #tpu.memory_space<vmem_shared>>) target(%dma_start3A_176 : memref<80x128xf32, #tpu.memory_space<hbm>>) target_semaphore(%run_scoped3A : memref<!tpu.dma_semaphore, #tpu.memory_space<semaphore_mem>>)
      %dma_wait3A_179 = arith.constant 0 : i32
      %dma_wait3A_180 = tpu.memref_slice %arg6[%arg0, %add3A_173, %dma_wait3A_179] : memref<2x10240x128xf32, #tpu.memory_space<hbm>> -> memref<1x80x128xf32, #tpu.memory_space<hbm>>
      %dma_wait3A_181 = tpu.memref_squeeze %dma_wait3A_180 : memref<1x80x128xf32, #tpu.memory_space<hbm>> -> memref<80x128xf32, #tpu.memory_space<hbm>>
      %dma_wait3A_182 = arith.constant 0 : i32
      %dma_wait3A_183 = tpu.memref_slice %arg7[%add3A_171, %dma_wait3A_182] : memref<10240x128xf32, #tpu.memory_space<vmem_shared>> -> memref<80x128xf32, #tpu.memory_space<vmem_shared>>
      tpu.wait_dma2 semaphore(%run_scoped3A : memref<!tpu.dma_semaphore, #tpu.memory_space<semaphore_mem>>) src(%dma_wait3A_183 : memref<80x128xf32, #tpu.memory_space<vmem_shared>>) dst(%dma_wait3A_181 : memref<80x128xf32, #tpu.memory_space<hbm>>)
      tpu.yield
    }) : () -> ()
    return
  }
}

module attributes {stable_mosaic.version = 14 : i64} {
  func.func @_proj_body(%arg0: i32, %arg1: memref<16x12800xf32, #tpu.memory_space<vmem>>, %arg2: memref<16x128xf32, #tpu.memory_space<vmem>>, %arg3: memref<128xf32, #tpu.memory_space<vmem>>, %arg4: memref<12800x128xf32, #tpu.memory_space<vmem>>) attributes {dimension_semantics = [#tpu.dimension_semantics<arbitrary>], iteration_bounds = array<i64: 25>, scalar_prefetch = 0 : i64, scratch_operands = 0 : i64, tpu.core_type = #tpu.core_type<tc>, window_params = [{transform_indices = @transform_0, window_bounds = array<i64: 16, 12800>}, {pipeline_mode = #tpu.pipeline_mode<synchronous>, transform_indices = @transform_1, window_bounds = array<i64: 16, 128>}, {pipeline_mode = #tpu.pipeline_mode<synchronous>, transform_indices = @transform_2, window_bounds = array<i64: 128>}, {transform_indices = @transform_3, window_bounds = array<i64: 12800, 128>}]} {
    %get3A = arith.constant 0 : index
    %get3A_0 = arith.constant 0 : index
    %get3A_1 = vector.load %arg1[%get3A, %get3A_0] : memref<16x12800xf32, #tpu.memory_space<vmem>>, vector<16x12800xf32>
    %get3A_2 = arith.constant 0 : index
    %get3A_3 = arith.constant 0 : index
    %get3A_4 = vector.load %arg2[%get3A_2, %get3A_3] : memref<16x128xf32, #tpu.memory_space<vmem>>, vector<16x128xf32>
    %dot_general3A = arith.constant dense<0.000000e+00> : vector<12800x128xf32>
    %dot_general3A_5 = tpu.matmul %get3A_1, %get3A_4, %dot_general3A {dimension_numbers = #tpu.dot_dimension_numbers<[0], [0], [1], [1], [0, 1, 1, 1], [], []>, transpose_lhs_hint = false} : vector<16x12800xf32>, vector<16x128xf32>, vector<12800x128xf32> -> vector<12800x128xf32>
    %get3A_6 = arith.constant 0 : index
    %get3A_7 = vector.load %arg3[%get3A_6] : memref<128xf32, #tpu.memory_space<vmem>>, vector<128xf32>
    %broadcast_in_dim3A = vector.shape_cast %get3A_7 : vector<128xf32> to vector<1x128xf32>
    %add3A = vector.broadcast %broadcast_in_dim3A : vector<1x128xf32> to vector<12800x128xf32>
    %add3A_8 = arith.addf %dot_general3A_5, %add3A : vector<12800x128xf32>
    %swap3A = arith.constant 0 : index
    %swap3A_9 = arith.constant 0 : index
    %swap3A_10 = vector.load %arg4[%swap3A, %swap3A_9] : memref<12800x128xf32, #tpu.memory_space<vmem>>, vector<12800x128xf32>
    tpu.vector_store %arg4[%swap3A, %swap3A_9], %add3A_8 {strides = array<i32>} : memref<12800x128xf32, #tpu.memory_space<vmem>>, vector<12800x128xf32>,
    return
  }
  func.func @transform_0(%arg0: i32) -> (i32, i32) {
    %c0_i32 = arith.constant 0 : i32
    %c0_i32_0 = arith.constant 0 : i32
    return %c0_i32, %arg0 : i32, i32
  }
  func.func @transform_1(%arg0: i32) -> (i32, i32) {
    %c0_i32 = arith.constant 0 : i32
    %c0_i32_0 = arith.constant 0 : i32
    %c0_i32_1 = arith.constant 0 : i32
    return %c0_i32, %c0_i32_0 : i32, i32
  }
  func.func @transform_2(%arg0: i32) -> i32 {
    %c0_i32 = arith.constant 0 : i32
    %c0_i32_0 = arith.constant 0 : i32
    return %c0_i32 : i32
  }
  func.func @transform_3(%arg0: i32) -> (i32, i32) {
    %c0_i32 = arith.constant 0 : i32
    %c0_i32_0 = arith.constant 0 : i32
    return %arg0, %c0_i32 : i32, i32
  }
}

module attributes {stable_mosaic.version = 14 : i64} {
  func.func @_mlp_body(%arg0: i32, %arg1: memref<2000x128xf32, #tpu.memory_space<vmem>>, %arg2: memref<2000x128xf32, #tpu.memory_space<vmem>>, %arg3: memref<2000x128xf32, #tpu.memory_space<vmem>>, %arg4: memref<128x128xf32, #tpu.memory_space<vmem>>, %arg5: memref<128xf32, #tpu.memory_space<vmem>>, %arg6: memref<128x128xf32, #tpu.memory_space<vmem>>, %arg7: memref<128xf32, #tpu.memory_space<vmem>>, %arg8: memref<2000x128xf32, #tpu.memory_space<vmem>>) attributes {dimension_semantics = [#tpu.dimension_semantics<arbitrary>], iteration_bounds = array<i64: 5>, scalar_prefetch = 0 : i64, scratch_operands = 0 : i64, tpu.core_type = #tpu.core_type<tc>, window_params = [{transform_indices = @transform_0, window_bounds = array<i64: 2000, 128>}, {transform_indices = @transform_1, window_bounds = array<i64: 2000, 128>}, {transform_indices = @transform_2, window_bounds = array<i64: 2000, 128>}, {pipeline_mode = #tpu.pipeline_mode<synchronous>, transform_indices = @transform_3, window_bounds = array<i64: 128, 128>}, {pipeline_mode = #tpu.pipeline_mode<synchronous>, transform_indices = @transform_4, window_bounds = array<i64: 128>}, {pipeline_mode = #tpu.pipeline_mode<synchronous>, transform_indices = @transform_5, window_bounds = array<i64: 128, 128>}, {pipeline_mode = #tpu.pipeline_mode<synchronous>, transform_indices = @transform_6, window_bounds = array<i64: 128>}, {transform_indices = @transform_7, window_bounds = array<i64: 2000, 128>}]} {
    %get3A = arith.constant 0 : index
    %get3A_0 = arith.constant 0 : index
    %get3A_1 = vector.load %arg1[%get3A, %get3A_0] : memref<2000x128xf32, #tpu.memory_space<vmem>>, vector<2000x128xf32>
    %get3A_2 = arith.constant 0 : index
    %get3A_3 = arith.constant 0 : index
    %get3A_4 = vector.load %arg2[%get3A_2, %get3A_3] : memref<2000x128xf32, #tpu.memory_space<vmem>>, vector<2000x128xf32>
    %add3A = arith.addf %get3A_1, %get3A_4 : vector<2000x128xf32>
    %get3A_5 = arith.constant 0 : index
    %get3A_6 = arith.constant 0 : index
    %get3A_7 = vector.load %arg3[%get3A_5, %get3A_6] : memref<2000x128xf32, #tpu.memory_space<vmem>>, vector<2000x128xf32>
    %add3A_8 = arith.addf %add3A, %get3A_7 : vector<2000x128xf32>
    %get3A_9 = arith.constant 0 : index
    %get3A_10 = arith.constant 0 : index
    %get3A_11 = vector.load %arg4[%get3A_9, %get3A_10] : memref<128x128xf32, #tpu.memory_space<vmem>>, vector<128x128xf32>
    %dot_general3A = arith.constant dense<0.000000e+00> : vector<2000x128xf32>
    %dot_general3A_12 = tpu.matmul %add3A_8, %get3A_11, %dot_general3A {dimension_numbers = #tpu.dot_dimension_numbers<[1], [0], [0], [1], [0, 0, 1, 1], [], []>, transpose_lhs_hint = false} : vector<2000x128xf32>, vector<128x128xf32>, vector<2000x128xf32> -> vector<2000x128xf32>
    %get3A_13 = arith.constant 0 : index
    %get3A_14 = vector.load %arg5[%get3A_13] : memref<128xf32, #tpu.memory_space<vmem>>, vector<128xf32>
    %broadcast_in_dim3A = vector.shape_cast %get3A_14 : vector<128xf32> to vector<1x128xf32>
    %add3A_15 = vector.broadcast %broadcast_in_dim3A : vector<1x128xf32> to vector<2000x128xf32>
    %add3A_16 = arith.addf %dot_general3A_12, %add3A_15 : vector<2000x128xf32>
    %mul3A = arith.constant 5.000000e-01 : f32
    %mul3A_17 = vector.broadcast %mul3A : f32 to vector<2000x128xf32>
    %mul3A_18 = arith.mulf %add3A_16, %mul3A_17 : vector<2000x128xf32>
    %mul3A_19 = arith.constant 0.707106769 : f32
    %mul3A_20 = vector.broadcast %mul3A_19 : f32 to vector<2000x128xf32>
    %mul3A_21 = arith.mulf %add3A_16, %mul3A_20 : vector<2000x128xf32>
    %erf3A = math.erf %mul3A_21 : vector<2000x128xf32>
    %add3A_22 = arith.constant 1.000000e+00 : f32
    %add3A_23 = vector.broadcast %add3A_22 : f32 to vector<2000x128xf32>
    %add3A_24 = arith.addf %add3A_23, %erf3A : vector<2000x128xf32>
    %mul3A_25 = arith.mulf %mul3A_18, %add3A_24 : vector<2000x128xf32>
    %get3A_26 = arith.constant 0 : index
    %get3A_27 = arith.constant 0 : index
    %get3A_28 = vector.load %arg6[%get3A_26, %get3A_27] : memref<128x128xf32, #tpu.memory_space<vmem>>, vector<128x128xf32>
    %dot_general3A_29 = arith.constant dense<0.000000e+00> : vector<2000x128xf32>
    %dot_general3A_30 = tpu.matmul %mul3A_25, %get3A_28, %dot_general3A_29 {dimension_numbers = #tpu.dot_dimension_numbers<[1], [0], [0], [1], [0, 0, 1, 1], [], []>, transpose_lhs_hint = false} : vector<2000x128xf32>, vector<128x128xf32>, vector<2000x128xf32> -> vector<2000x128xf32>
    %get3A_31 = arith.constant 0 : index
    %get3A_32 = vector.load %arg7[%get3A_31] : memref<128xf32, #tpu.memory_space<vmem>>, vector<128xf32>
    %broadcast_in_dim3A_33 = vector.shape_cast %get3A_32 : vector<128xf32> to vector<1x128xf32>
    %add3A_34 = vector.broadcast %broadcast_in_dim3A_33 : vector<1x128xf32> to vector<2000x128xf32>
    %add3A_35 = arith.addf %dot_general3A_30, %add3A_34 : vector<2000x128xf32>
    %swap3A = arith.constant 0 : index
    %swap3A_36 = arith.constant 0 : index
    %swap3A_37 = vector.load %arg8[%swap3A, %swap3A_36] : memref<2000x128xf32, #tpu.memory_space<vmem>>, vector<2000x128xf32>
    tpu.vector_store %arg8[%swap3A, %swap3A_36], %add3A_35 {strides = array<i32>} : memref<2000x128xf32, #tpu.memory_space<vmem>>, vector<2000x128xf32>,
    return
  }
  func.func @transform_0(%arg0: i32) -> (i32, i32) {
    %c0_i32 = arith.constant 0 : i32
    %c0_i32_0 = arith.constant 0 : i32
    return %arg0, %c0_i32 : i32, i32
  }
  func.func @transform_1(%arg0: i32) -> (i32, i32) {
    %c0_i32 = arith.constant 0 : i32
    %c0_i32_0 = arith.constant 0 : i32
    return %arg0, %c0_i32 : i32, i32
  }
  func.func @transform_2(%arg0: i32) -> (i32, i32) {
    %c0_i32 = arith.constant 0 : i32
    %c0_i32_0 = arith.constant 0 : i32
    return %arg0, %c0_i32 : i32, i32
  }
  func.func @transform_3(%arg0: i32) -> (i32, i32) {
    %c0_i32 = arith.constant 0 : i32
    %c0_i32_0 = arith.constant 0 : i32
    %c0_i32_1 = arith.constant 0 : i32
    return %c0_i32, %c0_i32_0 : i32, i32
  }
  func.func @transform_4(%arg0: i32) -> i32 {
    %c0_i32 = arith.constant 0 : i32
    %c0_i32_0 = arith.constant 0 : i32
    return %c0_i32 : i32
  }
  func.func @transform_5(%arg0: i32) -> (i32, i32) {
    %c0_i32 = arith.constant 0 : i32
    %c0_i32_0 = arith.constant 0 : i32
    %c0_i32_1 = arith.constant 0 : i32
    return %c0_i32, %c0_i32_0 : i32, i32
  }
  func.func @transform_6(%arg0: i32) -> i32 {
    %c0_i32 = arith.constant 0 : i32
    %c0_i32_0 = arith.constant 0 : i32
    return %c0_i32 : i32
  }
  func.func @transform_7(%arg0: i32) -> (i32, i32) {
    %c0_i32 = arith.constant 0 : i32
    %c0_i32_0 = arith.constant 0 : i32
    return %arg0, %c0_i32 : i32, i32
  }
}

</mosaic_0001>

<sc_bundles>
// kernel: kernel.5.cloned.1.call-start
scs
__scs_entry_jumppad:
0x0: {  	(pc) =	sbr.rel $0x88, $3  }
0x1: {  	(tag) =	ssettag $0x0;
	lr =	simm.s32 $0x1  }
0x2: {  	[smem:$0x3F98] =	sst lr;
	_ =	strace $0xD0000000  }
0x3: {  	_ = 	snop  }
0x4: {  	_ = 	snop  }
0x5: {  	_ = 	snop  }
0x6: {  	_ = 	snop  }
0x7: {  	_ = 	snop  }
__scs_overlays_trampoline_lowered:
0x8: {  	[smem:$0x3FA7] =	sst s0  }
0x9: {  	[smem:$0x3FA8] =	sst s1  }
0xa: {  	[smem:$0x3FA9] =	sst s2  }
0xb: {  	[smem:$0x3FAA] =	sst s3  }
0xc: {  	[smem:$0x3FAB] =	sst s4  }
0xd: {  	[smem:$0x3FAC] =	sst s5  }
0xe: {  	[smem:$0x3FAD] =	sst s6  }
0xf: {  	[smem:$0x3FAE] =	sst s7  }
0x10: {  	[smem:$0x3FAF] =	sst s8  }
0x11: {  	[smem:$0x3FB0] =	sst s9;
	s0 =	simm.s32 @!p0 $0x0  }
0x12: {  	s1 =	sld [smem:$0x3F96];
	s0 =	simm.s32 @p0 $0x1  }
0x13: {  	[smem:$0x3FB1] =	sst s0;
	s0 =	simm.s32 @!p1 $0x0  }
0x14: {  	s2 =	sld [smem:$0x3F95];
	s0 =	simm.s32 @p1 $0x1  }
0x15: {  	[smem:$0x3FB2] =	sst s0;
	s0 =	simm.s32 @!p2 $0x0  }
0x16: {  	s3 =	sld [smem:$0x3FDB];
	s0 =	simm.s32 @p2 $0x1  }
0x17: {  	s4 =	simm.s32 $0x1BF5;
	[smem:$0x3FB4] =	sst s0  }
0x18: {  	s0 =	sld [smem:$0x3F97];
	_ =	swait.ge [sflag:s4], $0x0  }
0x19: {  	s7 =	sld [smem:$0x3F98]  }
0x1a: {  	s8 =	sadd.s32 $0xFFFFE003, lr  }
0x1b: {  	s9 =	sadd.s32 $0xFFFFFEF7, lr;
	s5 =	simm.s32 $0xFFFFFFFF;
	p2 =	slt.u32 s8, $0xFFFFF086  }
0x1c: {  	p1 =	slt.u32 s9, $0xF7A;
	s5 =	simm.s32 @!p2 $0x0  }
0x1d: {  	s5 =	simm.s32 @p1 $0x1;
	p0 =	seq.s32 s7, s2  }
0x1e: {  	s7 =	smul.u32 @!p0 $0xF7A, s2;
	p2 =	seq.s32 @!p0 s5, $0x0  }
0x1f: {  	s9 =	smul.u32 $0xF7A, s1;
	s8 =	simm.s32 @!p0 $0x1BF5;
	p2 =	por !p2, p0  }
0x20: {  	[sflag:s8] =	ssyncset.s32 @!p0 $0xFFFFF086;
	s6 =	sadd.s32 @!p0 s3, s7;
	s7 =	simm.s32 @!p0 $0x108  }
0x21: {  	s3 =	sadd.s32 s3, s9;
	s6 =	sadd.s32 @!p0 $0x88, s6;
	s7 =	simm.s32 @p2 $0x1082  }
0x22: {  	[simem:s7], [sflag:s8] =	dma.local @!p0 [hbm:s6], $0xF7A  }
0x23: {  	s9 =	sor.u32 $0xD0000000, s2;
	s6 =	simm.s32 $0x108;
	_ =	swait.ge @!p0 [sflag:s8], $0x0  }
0x24: {  	s3 =	sadd.s32 $0x88, s3;
	s6 =	simm.s32 @!p1 $0x1082;
	[sflag:s4] =	ssyncset.s32 $0xFFFFF086  }
0x25: {  	[simem:s6], [sflag:s4] =	dma.local [hbm:s3], $0xF7A  }
0x26: {  	[smem:$0x3F98] =	sst s1;
	(tag) =	ssettag s2;
	_ =	strace s9  }
0x27: {  	s1 =	sld [smem:$0x3FA8]  }
0x28: {  	s2 =	sld [smem:$0x3FA9]  }
0x29: {  	s4 =	sld [smem:$0x3FAB]  }
0x2a: {  	p0 =	seq.s32 s5, $0x0;
	s5 =	sld [smem:$0x3FAC]  }
0x2b: {  	s6 =	sld [smem:$0x3FAD]  }
0x2c: {  	s7 =	sld [smem:$0x3FAE]  }
0x2d: {  	s3 =	simm.s32 $0x108;
	s8 =	sld [smem:$0x3FAF]  }
0x2e: {  	s3 =	simm.s32 @!p0 $0x1082;
	s9 =	sld [smem:$0x3FB0]  }
0x2f: {  	lr =	sadd.s32 s0, s3;
	s0 =	sld [smem:$0x3FA7]  }
0x30: {  	s3 =	sld [smem:$0x3FAA]  }
0x31: {  	[smem:$0x3FB3] =	sst s10  }
0x32: {  	s10 =	sld [smem:$0x3FB1];
	_ =	sdelay $0x3  }
0x33: {  	p0 =	seq.s32 s10, $0x1;
	s10 =	sld [smem:$0x3FB3];
	_ =	sdelay $0x3  }
0x34: {  	[smem:$0x3FB3] =	sst s10  }
0x35: {  	s10 =	sld [smem:$0x3FB2];
	_ =	sdelay $0x3  }
0x36: {  	p1 =	seq.s32 s10, $0x1;
	s10 =	sld [smem:$0x3FB3];
	_ =	sdelay $0x3  }
0x37: {  	[smem:$0x3FB3] =	sst s10  }
0x38: {  	s10 =	sld [smem:$0x3FB4]  }
0x39: {  	_ = 	snop;
	(pc) =	sbr.ind lr, $3  }
0x3a: {  	_ = 	snop  }
0x3b: {  	_ = 	snop  }
0x3c: {  	p2 =	seq.s32 s10, $0x1;
	s10 =	sld [smem:$0x3FB3]  }
0x3d: {  	_ =	shalt  }
0x3e: {  	_ =	shalt  }
0x3f: {  	_ =	shalt  }
0x40: {  	_ =	shalt  }
0x41: {  	_ =	shalt  }
0x42: {  	_ =	shalt  }
0x43: {  	_ =	shalt  }
0x44: {  	_ =	shalt  }
0x45: {  	_ =	shalt  }
0x46: {  	_ =	shalt  }
0x47: {  	_ =	shalt  }
0x48: {  	_ =	shalt  }
0x49: {  	_ =	shalt  }
0x4a: {  	_ =	shalt  }
0x4b: {  	_ =	shalt  }
0x4c: {  	_ =	shalt  }
0x4d: {  	_ =	shalt  }
0x4e: {  	_ =	shalt  }
0x4f: {  	_ =	shalt  }
0x50: {  	_ =	shalt  }
0x51: {  	_ =	shalt  }
0x52: {  	_ =	shalt  }
0x53: {  	_ =	shalt  }
0x54: {  	_ =	shalt  }
0x55: {  	_ =	shalt  }
0x56: {  	_ =	shalt  }
0x57: {  	_ =	shalt  }
0x58: {  	_ =	shalt  }
0x59: {  	_ =	shalt  }
0x5a: {  	_ =	shalt  }
0x5b: {  	_ =	shalt  }
0x5c: {  	_ =	shalt  }
0x5d: {  	_ =	shalt  }
0x5e: {  	_ =	shalt  }
0x5f: {  	_ =	shalt  }
0x60: {  	_ =	shalt  }
0x61: {  	_ =	shalt  }
0x62: {  	_ =	shalt  }
0x63: {  	_ =	shalt  }
0x64: {  	_ =	shalt  }
0x65: {  	_ =	shalt  }
0x66: {  	_ =	shalt  }
0x67: {  	_ =	shalt  }
0x68: {  	_ =	shalt  }
0x69: {  	_ =	shalt  }
0x6a: {  	_ =	shalt  }
0x6b: {  	_ =	shalt  }
0x6c: {  	_ =	shalt  }
0x6d: {  	_ =	shalt  }
0x6e: {  	_ =	shalt  }
0x6f: {  	_ =	shalt  }
0x70: {  	_ =	shalt  }
0x71: {  	_ =	shalt  }
0x72: {  	_ =	shalt  }
0x73: {  	_ =	shalt  }
0x74: {  	_ =	shalt  }
0x75: {  	_ =	shalt  }
0x76: {  	_ =	shalt  }
0x77: {  	_ =	shalt  }
0x78: {  	_ =	shalt  }
0x79: {  	_ =	shalt  }
0x7a: {  	_ =	shalt  }
0x7b: {  	_ =	shalt  }
0x7c: {  	_ =	shalt  }
0x7d: {  	_ =	shalt  }
0x7e: {  	_ =	shalt  }
0x7f: {  	_ =	shalt  }
0x80: {  	_ =	shalt  }
0x81: {  	_ =	shalt  }
0x82: {  	_ =	shalt  }
0x83: {  	_ =	shalt  }
0x84: {  	_ =	shalt  }
0x85: {  	_ =	shalt  }
0x86: {  	_ =	shalt  }
0x87: {  	_ =	shalt  }
.Lfunc_end0:
.L_simem_size_0:
called_computation_lowered:
.L_overlay_start_0:
0x88: {  	s2 =	sld [smem:$0x3FD9]  }
0x89: {  	s3 =	sld [smem:$0x3FFE];
	_ =	sdelay $0x1  }
0x8a: {  	s1 =	srdreg.scid  }
0x8b: {  	s0 =	sand.u32 $0x1, s1  }
0x8c: {  	s17 =	sshll.u32 s0, $0xA;
	s2 =	sadd.s32 s3, s2  }
0x8d: {  	s2 =	sadd.s32 s2, s17  }
0x8e: {  	[smem:$0x3FBF] =	sst s2  }
0x8f: {  	_ = 	snop  }
0x90: {  	s2 =	sld [smem:$0x3FC9]  }
0x91: {  	s18 =	sld [smem:$0x3FD0];
	(tm) =	ssettm $0x1  }
0x92: {  	s4 =	sld [smem:$0x3FFB];
	_ =	sdelay $0x3  }
0x93: {  	_ =	strace s4  }
0x94: {  	s4 =	sld [smem:$0x3FFC];
	_ =	sdelay $0x3  }
0x95: {  	_ =	strace s4  }
0x96: {  	s4 =	sld [smem:$0x3FFD];
	_ =	sdelay $0x3  }
0x97: {  	_ =	strace s4  }
0x98: {  	_ =	strace $0x8FFFFFFF  }
0x99: {  	s19 =	sld [smem:$0x3FDB];
	_ =	sdelay $0x1  }
0x9a: {  	s5 =	simm.s32 $_scs_section_size  }
0x9b: {  	s6 =	simm.s32 $_size__tile_overlayer_lowered;
	s7 =	simm.s32 $_tile_overlayer_lowered  }
0x9c: {  	s22 =	simm.s32 $0x1BFF;
	s21 =	sshll.u32 s7, $0x1;
	s4 =	sadd.s32 s5, s19  }
0x9d: {  	s8 =	simm.s32 $0x0;
	s20 =	sshll.u32 s6, $0x1;
	s6 =	sadd.s32 s21, s4  }
0x9e: {  	[timem:s8], [sflag:s22] =	dma.local [hbm:s6], s20  }
0x9f: {  	_ =	swait.ge [sflag:s22], s20  }
0xa0: {  	s5 =	ssub.s32 $0x0, s20;
	[sflag:s22] =	ssyncset.done $0x0  }
0xa1: {  	[sflag:s22] =	ssyncadd.s32 s5;
	_ =	sdelay $0x1  }
0xa2: {  	s23 =	simm.s32 $0x1B8B  }
0xa3: {  	_ =	swait.ge [sflag:s23], $0x1  }
0xa4: {  	[sflag:s23] =	ssyncset.done $0x0  }
0xa5: {  	s25 =	simm.s32 $0x1B8E;
	s24 =	sld [smem:$0x3FFE];
	[sflag:s23] =	ssyncadd.s32 $0xFFFFFFFF  }
0xa6: {  	s26 =	simm.s32 $execute0_lowered;
	[smem:$0x3FD2] =	sst s25  }
0xa7: {  	s6 =	sshll.u32 s26, $0x1;
	_ =	strace $0x80000046;
	[dreg:$0x1] =	wrdreg $0xFFFFFFFF  }
0xa8: {  	s28 =	simm.s32 $_size_execute0_lowered;
	s4 =	sadd.s32 s4, s6;
	[dreg:$0x0] =	wrdreg $0x0  }
0xa9: {  	s6 =	sshll.u32 s28, $0x1;
	[dreg:$0x2] =	wrdreg s4  }
0xaa: {  	[dreg:$0x3] =	wrdreg s6  }
0xab: {  	[dreg:$0x4] =	wrdreg $0xC0  }
0xac: {  	_ =	task [dreg:s8], $0x5FFFF  }
0xad: {  	[dreg:$0x1] =	wrdreg $0xFFFFFFFF  }
0xae: {  	[dreg:$0x0] =	wrdreg $0x60  }
0xaf: {  	[dreg:$0x2] =	wrdreg s2  }
0xb0: {  	[dreg:$0x3] =	wrdreg s18  }
0xb1: {  	[dreg:$0x4] =	wrdreg s24  }
0xb2: {  	[dreg:$0x5] =	wrdreg $0x0  }
0xb3: {  	[dreg:$0x6] =	wrdreg $0x9  }
0xb4: {  	_ =	task.clear_ibuf [dreg:s8], $0x7FFFF;
	_ =	strace $0x90000046  }
0xb5: {  	s29 =	simm.s32 $0x9;
	_ =	strace $0x80000048  }
0xb6: {  	_ =	swait.ge [sflag:s29], $0x1  }
0xb7: {  	[sflag:s29] =	ssyncadd.s32 $0xFFFFFFFF  }
0xb8: {  	_ =	strace $0x90000048  }
0xb9: {  	_ =	sfence  }
0xba: {  	s30 =	sld [smem:$0x0];
	_ =	sdelay $0x2  }
0xbb: {  	s31 =	sshll.u32 s1, $0xD;
	s1 =	sshrl.u32 s1, $0x2  }
0xbc: {  	s3 =	sand.u32 $0x4000, s31;
	s1 =	sadd.s32 s1, s30  }
0xbd: {  	s0 =	sor.u32 s3, s0;
	s1 =	sshll.u32 s1, $0x11  }
0xbe: {  	s0 =	sor.u32 s1, s0  }
0xbf: {  	s0 =	sadd.s32 $0x8F2B, s0  }
0xc0: {  	[sflag:s0] =	ssyncadd.remote.s32 $0x1  }
0xc1: {  	_ =	sfence.sel $0xFFFF  }
0xc2: {  	[dreg:$0x0] =	wrdreg $0xFFFFFFFF;
	(pc) =	sbr.abs _section_cstart, $3  }
0xc3: {  	[dreg:$0x1] =	wrdreg $0xFFFFFFFF  }
0xc4: {  	_ =	task.clear_ibuf [dreg:s8], $0x2FFFF;
	_ =	strace $0x9FFFFFFF  }
0xc5: {  	(tm) =	ssettm $0x7FFFFFFF  }
tec
execute0_lowered:
.L_overlay_start_1:
0x0: {  	(tag) =	ssettag $0x1  }
0x1: {  	s2 =	srdreg.scid  }
0x2: {  	s0 =	rddreg [dreg:$0x0];
	s2 =	sand.u32 $0x1, s2  }
0x3: {  	s1 =	rddreg [dreg:$0x1];
	s12 =	stileid.u32;
	s6 =	sshll.u32 s2, $0x4  }
0x4: {  	s5 =	rddreg [dreg:$0x2];
	s4 =	simm.s32 $0x0;
	s6 =	sor.u32 s12, s6  }
0x5: {  	[smem:$0x7FF] =	sst s4;
	s7 =	sshrl.u32 s6, $0x3  }
0x6: {  	s8 =	sshll.u32 s12, $0x7;
	s9 =	sadd.s32 $0x4ECC00, s5;
	s7 =	smul.u32 $0x13C00, s7  }
0x7: {  	s3 =	rddreg [dreg:$0x3];
	_ =	strace $0x80000047;
	s8 =	sand.u32 $0x380, s8  }
0x8: {  	s10 =	ssub.s32 $0x2, s2;
	s7 =	sor.u32 s8, s7;
	s8 =	smul.u32 $0x50000, s12  }
0x9: {  	s11 =	sshrl.u32 s10, $0x1;
	s12 =	smul.u32 $0x14000, s12;
	s7 =	sshrl.u32 s7, $0x3  }
0xa: {  	s26 =	smul.u32 $0x140000, s2;
	s10 =	ssub.s32 s10, s11;
	s1 =	sadd.s32 s1, s7  }
0xb: {  	s2 =	sor.u32 $0x2800, s12;
	s7 =	sadd.s32 $0x5000, s12;
	s11 =	sadd.s32 $0x7800, s12  }
0xc: {  	s13 =	sadd.s32 $0xA000, s12;
	s22 =	sadd.s32 $0xC800, s12;
	s14 =	sadd.s32 s12, s26  }
0xd: {  	s23 =	sadd.s32 $0xF000, s12;
	s12 =	sadd.s32 $0x11800, s12;
	[dreg:$0x5] =	wrdreg s1  }
0xe: {  	s14 =	sshrl.u32 s14, $0x3;
	s15 =	sadd.s32 s26, s2;
	s18 =	sadd.s32 s26, s7  }
0xf: {  	s19 =	sadd.s32 s26, s11;
	s16 =	sadd.s32 s26, s13;
	s24 =	sadd.s32 s26, s22  }
0x10: {  	s25 =	sadd.s32 s26, s23;
	s1 =	sadd.s32 s26, s12;
	s28 =	sadd.s32 s2, s3  }
0x11: {  	s29 =	sadd.s32 s7, s3;
	s30 =	sadd.s32 s11, s3;
	s31 =	sadd.s32 s13, s3  }
0x12: {  	s13 =	sadd.s32 s22, s3;
	s23 =	sadd.s32 s23, s3;
	s2 =	simm.s32 $0x16A00  }
0x13: {  	s7 =	simm.s32 $0x1CD80;
	s14 =	sadd.s32 s9, s14;
	s17 =	sshrl.u32 s15, $0x3  }
0x14: {  	s15 =	sshrl.u32 s19, $0x3;
	s21 =	sshrl.u32 s16, $0x3;
	s1 =	sshrl.u32 s1, $0x3  }
0x15: {  	[dreg:$0xe] =	wrdreg s13;
	s16 =	smul.u32 $0x27100, s6;
	s13 =	simm.s32 $0x0  }
0x16: {  	[dreg:$0x6] =	wrdreg s14;
	s14 =	sadd.s32 s9, s17;
	s20 =	sadd.s32 s9, s15  }
0x17: {  	s15 =	sshrl.u32 s25, $0x3;
	s1 =	sadd.s32 s9, s1;
	[dreg:$0x7] =	wrdreg s14  }
0x18: {  	s25 =	smax.u32 s10, $0x1;
	s10 =	simm.s32 $0x17E00;
	[dreg:$0x9] =	wrdreg s20  }
0x19: {  	s14 =	sshrl.u32 s18, $0x3;
	s26 =	sadd.s32 s9, s15;
	[dreg:$0xd] =	wrdreg s1  }
0x1a: {  	s15 =	sadd.s32 $0xAC00, s5;
	s20 =	smul.u32 $0x2710, s6;
	[dreg:$0x13] =	wrdreg s25  }
0x1b: {  	s6 =	simm.s32 $0x15600;
	s14 =	sadd.s32 s9, s14;
	[dreg:$0xc] =	wrdreg s26  }
0x1c: {  	s1 =	sadd.s32 s15, s16;
	[dreg:$0x8] =	wrdreg s14;
	s14 =	sadd.s32 s9, s21  }
0x1d: {  	s17 =	sadd.s32 $0x28, s20;
	[dreg:$0xf] =	wrdreg s1;
	s18 =	sshrl.u32 s20, $0x3  }
0x1e: {  	[dreg:$0xa] =	wrdreg s14;
	s14 =	sshrl.u32 s24, $0x3;
	s24 =	sadd.s32 s12, s3  }
0x1f: {  	s19 =	sshll.u32 s17, $0x4;
	s22 =	sshrl.u32 s17, $0x3;
	s14 =	sadd.s32 s9, s14  }
.Ltmp0:
0x20: {  	s9 =	sshrl.u32 s8, $0x2;
	s21 =	sadd.s32 s15, s19;
	(pc) =	sbr.rel .LBB2_1-.Ltmp0, $4  }
0x21: {  	s8 =	simm.s32 $0x1;
	[dreg:$0xb] =	wrdreg s14;
	s14 =	sadd.s32 $0xE00, s5  }
0x22: {  	s26 =	sadd.s32 s9, s3;
	[dreg:$0x11] =	wrdreg s21;
	s1 =	sadd.s32 s14, s18  }
0x23: {  	s5 =	simm.s32 $0x28;
	[dreg:$0x10] =	wrdreg s1;
	s1 =	sadd.s32 s14, s22  }
0x24: {  	v0 =	vimm.f32 $0.0e+00;
	s9 =	simm.s32 $0x2;
	[dreg:$0x12] =	wrdreg s1;
	s1 =	simm.s32 $0x5  }
.LBB2_10:
0x25: {  	s11 =	simm.s32 $0x3  }
0x26: {  	_ =	swait.ge [sflag:s11], $0x1400  }
0x27: {  	[sflag:s11] =	ssyncset.done $0x0  }
0x28: {  	s12 =	simm.s32 $0x4;
	[sflag:s11] =	ssyncadd.s32 $0xFFFFEC00  }
0x29: {  	_ =	swait.ge [sflag:s12], $0x1400  }
0x2a: {  	[sflag:s12] =	ssyncset.done $0x0  }
0x2b: {  	s16 =	stileid.u32;
	[sflag:s12] =	ssyncadd.s32 $0xFFFFEC00  }
0x2c: {  	s11 =	sshll.u32 s16, $0x6;
	[bflag:$0x0] =	sbarrier.arrive $0xFFFF  }
0x2d: {  	s11 =	sor.u32 $0x1C05, s11;
	s12 =	sshrl.u32 s17, $0x3;
	s16 =	rddreg [dreg:$0x6]  }
0x2e: {  	[hbm:s16], [sflag:s11] =	dma.local [spmem:s12], $0x500  }
0x2f: {  	_ =	swait.ge [sflag:s1], $0x500  }
0x30: {  	s28 =	smov.u32 s18;
	[sflag:s1] =	ssyncset.done $0x0  }
0x31: {  	s18 =	sshrl.u32 s18, $0x3;
	s25 =	rddreg [dreg:$0x7];
	[sflag:s1] =	ssyncadd.s32 $0xFFFFFB00  }
0x32: {  	[hbm:s25], [sflag:s11] =	dma.local [spmem:s18], $0x500  }
0x33: {  	_ =	swait.ge [sflag:s1], $0x500  }
0x34: {  	s26 =	smov.u32 s17;
	[sflag:s1] =	ssyncset.done $0x0  }
0x35: {  	s17 =	sshrl.u32 s19, $0x3;
	s18 =	rddreg [dreg:$0x8];
	[sflag:s1] =	ssyncadd.s32 $0xFFFFFB00  }
0x36: {  	[hbm:s18], [sflag:s11] =	dma.local [spmem:s17], $0x500  }
0x37: {  	_ =	swait.ge [sflag:s1], $0x500  }
0x38: {  	s29 =	smov.u32 s19;
	s30 =	smov.u32 s21;
	[sflag:s1] =	ssyncset.done $0x0  }
0x39: {  	s19 =	sshrl.u32 s21, $0x3;
	s21 =	rddreg [dreg:$0x9];
	[sflag:s1] =	ssyncadd.s32 $0xFFFFFB00  }
0x3a: {  	[hbm:s21], [sflag:s11] =	dma.local [spmem:s19], $0x500  }
0x3b: {  	_ =	swait.ge [sflag:s1], $0x500  }
0x3c: {  	s31 =	smov.u32 s22;
	[sflag:s1] =	ssyncset.done $0x0  }
0x3d: {  	s22 =	sshrl.u32 s22, $0x3;
	s25 =	rddreg [dreg:$0xa];
	[sflag:s1] =	ssyncadd.s32 $0xFFFFFB00  }
0x3e: {  	[hbm:s25], [sflag:s11] =	dma.local [spmem:s22], $0x500  }
0x3f: {  	_ =	swait.ge [sflag:s1], $0x500  }
0x40: {  	[sflag:s1] =	ssyncset.done $0x0;
	s16 =	rddreg [dreg:$0xe]  }
0x41: {  	s17 =	rddreg [dreg:$0xb];
	[sflag:s1] =	ssyncadd.s32 $0xFFFFFB00;
	s12 =	sshrl.u32 s16, $0x3  }
0x42: {  	[hbm:s17], [sflag:s11] =	dma.local [spmem:s12], $0x500  }
0x43: {  	_ =	swait.ge [sflag:s1], $0x500  }
0x44: {  	[sflag:s1] =	ssyncset.done $0x0  }
0x45: {  	s18 =	sshrl.u32 s23, $0x3;
	s19 =	rddreg [dreg:$0xc];
	[sflag:s1] =	ssyncadd.s32 $0xFFFFFB00  }
0x46: {  	[hbm:s19], [sflag:s11] =	dma.local [spmem:s18], $0x500  }
0x47: {  	_ =	swait.ge [sflag:s1], $0x500  }
0x48: {  	[sflag:s1] =	ssyncset.done $0x0  }
0x49: {  	s21 =	sshrl.u32 s24, $0x3;
	s22 =	rddreg [dreg:$0xd];
	[sflag:s1] =	ssyncadd.s32 $0xFFFFFB00  }
0x4a: {  	[hbm:s22], [sflag:s11] =	dma.local [spmem:s21], $0x500  }
0x4b: {  	_ =	swait.ge [sflag:s1], $0x500  }
0x4c: {  	s13 =	sadd.s32 $0x1, s13;
	s25 =	rddreg [dreg:$0x13]  }
0x4d: {  	p0 =	sne.s32 s13, s25  }
.Ltmp1:
0x4e: {  	_ = 	snop;
	(pc) =	sbr.rel @!p0 .LBB2_11-.Ltmp1, $3  }
0x4f: {  	_ =	sdelay $0x1  }
0x50: {  	[sflag:s1] =	ssyncset.done $0x0  }
0x51: {  	[sflag:s1] =	ssyncadd.s32 $0xFFFFFB00  }
.LBB2_1:
0x52: {  	s11 =	rddreg [dreg:$0x5]  }
0x53: {  	s12 =	simm.s32 $0x80;
	s16 =	simm.s32 $0x400;
	s17 =	simm.s32 $0x19200  }
0x54: {  	[tilespmem:s17], [sflag:$0x5] =	stream.strided.gather [hbm4b:s11+s12], $0x2780, s16, s12, $0x38;
	[tilespmem:$0x1E180] =	vst v63  }
0x55: {  	_ =	swait.ge [sflag:s1], $0x2780  }
0x56: {  	[sflag:s1] =	ssyncset.done $0x0  }
0x57: {  	s25 =	simm.s32 $0x200;
	s11 =	simm.s32 $0x0;
	[sflag:s1] =	ssyncadd.s32 $0xFFFFD880  }
.LBB2_2:
0x58: {  	p0 =	sne.s32 s25, $0x9E00;
	[tilespmem:s11+$0x16A70] =	vst v0  }
0x59: {  	[tilespmem:s11+$0x16A00] =	vst v0  }
0x5a: {  	[tilespmem:s11+$0x16A10] =	vst v0  }
.Ltmp2:
0x5b: {  	[tilespmem:s11+$0x16A20] =	vst v0;
	(pc) =	sbr.rel @p0 .LBB2_2-.Ltmp2, $4  }
0x5c: {  	[tilespmem:s11+$0x16A30] =	vst v0  }
0x5d: {  	[tilespmem:s11+$0x16A40] =	vst v0  }
0x5e: {  	[tilespmem:s11+$0x16A50] =	vst v0  }
0x5f: {  	[tilespmem:s11+$0x16A60] =	vst v0;
	s11 =	sshra.s32 s25, $0x2;
	s25 =	sadd.s32 $0x200, s25  }
0x60: {  	[tilespmem:s11+$0x16A70] =	vst v0  }
0x61: {  	[tilespmem:s11+$0x16A00] =	vst v0  }
0x62: {  	[tilespmem:s11+$0x16A10] =	vst v0  }
0x63: {  	[tilespmem:s11+$0x16A20] =	vst v0  }
0x64: {  	[tilespmem:s11+$0x16A30] =	vst v0  }
0x65: {  	[tilespmem:s11+$0x16A40] =	vst v0  }
0x66: {  	[tilespmem:s11+$0x16A50] =	vst v0  }
0x67: {  	[tilespmem:s11+$0x16A60] =	vst v0  }
0x68: {  	[spmem:s26] =	stream.linear.scatter [tilespmem:s2], [sflag:$0x5], $0x2800, $0x38;
	[tilespmem:$0x1E180] =	vst v63  }
0x69: {  	_ =	swait.ge [sflag:s1], $0x2800  }
0x6a: {  	[sflag:s1] =	ssyncset.done $0x0  }
0x6b: {  	[sflag:s1] =	ssyncadd.s32 $0xFFFFD800  }
0x6c: {  	[spmem:s28] =	stream.linear.scatter [tilespmem:s2], [sflag:$0x5], $0x2800, $0x38;
	[tilespmem:$0x1E180] =	vst v63  }
0x6d: {  	_ =	swait.ge [sflag:s1], $0x2800  }
0x6e: {  	[sflag:s1] =	ssyncset.done $0x0  }
0x6f: {  	[sflag:s1] =	ssyncadd.s32 $0xFFFFD800  }
0x70: {  	[spmem:s29] =	stream.linear.scatter [tilespmem:s2], [sflag:$0x5], $0x2800, $0x38;
	[tilespmem:$0x1E180] =	vst v63  }
0x71: {  	_ =	swait.ge [sflag:s1], $0x2800  }
0x72: {  	[sflag:s1] =	ssyncset.done $0x0  }
0x73: {  	[sflag:s1] =	ssyncadd.s32 $0xFFFFD800  }
0x74: {  	[spmem:s30] =	stream.linear.scatter [tilespmem:s2], [sflag:$0x5], $0x2800, $0x38;
	[tilespmem:$0x1E180] =	vst v63  }
0x75: {  	_ =	swait.ge [sflag:s1], $0x2800  }
0x76: {  	[sflag:s1] =	ssyncset.done $0x0  }
0x77: {  	[sflag:s1] =	ssyncadd.s32 $0xFFFFD800  }
0x78: {  	[spmem:s31] =	stream.linear.scatter [tilespmem:s2], [sflag:$0x5], $0x2800, $0x38;
	[tilespmem:$0x1E180] =	vst v63  }
0x79: {  	_ =	swait.ge [sflag:s1], $0x2800  }
0x7a: {  	[sflag:s1] =	ssyncset.done $0x0  }
0x7b: {  	s18 =	smov.u32 s28;
	s28 =	rddreg [dreg:$0xe];
	[sflag:s1] =	ssyncadd.s32 $0xFFFFD800  }
0x7c: {  	[spmem:s28] =	stream.linear.scatter [tilespmem:s2], [sflag:$0x5], $0x2800, $0x38;
	[tilespmem:$0x1E180] =	vst v63  }
0x7d: {  	_ =	swait.ge [sflag:s1], $0x2800  }
0x7e: {  	[sflag:s1] =	ssyncset.done $0x0  }
0x7f: {  	[sflag:s1] =	ssyncadd.s32 $0xFFFFD800  }
0x80: {  	[spmem:s23] =	stream.linear.scatter [tilespmem:s2], [sflag:$0x5], $0x2800, $0x38;
	[tilespmem:$0x1E180] =	vst v63  }
0x81: {  	_ =	swait.ge [sflag:s1], $0x2800  }
0x82: {  	[sflag:s1] =	ssyncset.done $0x0  }
0x83: {  	[sflag:s1] =	ssyncadd.s32 $0xFFFFD800  }
0x84: {  	[spmem:s24] =	stream.linear.scatter [tilespmem:s2], [sflag:$0x5], $0x2800, $0x38;
	[tilespmem:$0x1E180] =	vst v63  }
0x85: {  	_ =	swait.ge [sflag:s1], $0x2800  }
0x86: {  	[sflag:s1] =	ssyncset.done $0x0  }
0x87: {  	[sflag:s1] =	ssyncadd.s32 $0xFFFFD800  }
0x88: {  	s19 =	smov.u32 s29;
	s21 =	smov.u32 s30;
	[bflag:$0x0] =	sbarrier.arrive $0xFFFF  }
0x89: {  	s25 =	simm.s32 $0x0;
	s12 =	simm.s32 $0x14200;
	s29 =	rddreg [dreg:$0xf]  }
0x8a: {  	[tilespmem:s12], [sflag:$0x1] =	stream.linear.gather [hbm4b:s29+s25], $0x1400, $0x38;
	[tilespmem:$0x1E180] =	vst v63  }
0x8b: {  	s22 =	smov.u32 s31;
	s30 =	simm.s32 $0x19200;
	s31 =	simm.s32 $0x1B980  }
0x8c: {  	[tilespmem:s31], [sflag:$0x1] =	stream.indirect.gather [hbm4b:s0+s5], $0x80, s30, s5, $0xb8;
	[tilespmem:$0x1E180] =	vst v63  }
0x8d: {  	s17 =	smov.u32 s26;
	s26 =	simm.s32 $0x14000;
	s16 =	rddreg [dreg:$0x10]  }
0x8e: {  	[tilespmem:s26], [sflag:$0x1] =	stream.linear.gather [hbm4b:s16+s25], $0x28, $0x38;
	[tilespmem:$0x1E180] =	vst v63  }
0x8f: {  	s28 =	rddreg [dreg:$0x11]  }
0x90: {  	[tilespmem:s6], [sflag:$0x2] =	stream.linear.gather [hbm4b:s28+s25], $0x1400, $0x38;
	[tilespmem:$0x1E180] =	vst v63  }
0x91: {  	s29 =	simm.s32 $0x19228  }
0x92: {  	[tilespmem:s7], [sflag:$0x2] =	stream.indirect.gather [hbm4b:s0+s5], $0x80, s29, s5, $0xb8;
	[tilespmem:$0x1E180] =	vst v63  }
0x93: {  	s30 =	rddreg [dreg:$0x12];
	s31 =	simm.s32 $0x14080  }
0x94: {  	[tilespmem:s31], [sflag:$0x2] =	stream.linear.gather [hbm4b:s30+s25], $0x28, $0x38;
	[tilespmem:$0x1E180] =	vst v63  }
.LBB2_4:
0x95: {  	_ =	swait.ge [sflag:s8], $0x1400  }
0x96: {  	[sflag:s8] =	ssyncset.done $0x0  }
0x97: {  	[sflag:s8] =	ssyncadd.s32 $0xFFFFEC00  }
0x98: {  	_ =	swait.ge [sflag:s8], $0x1400  }
0x99: {  	[sflag:s8] =	ssyncset.done $0x0  }
0x9a: {  	[sflag:s8] =	ssyncadd.s32 $0xFFFFEC00  }
0x9b: {  	_ =	swait.ge [sflag:s8], $0x28  }
0x9c: {  	p0 =	seq.s32 s25, $0x0;
	[sflag:s8] =	ssyncset.done $0x0  }
0x9d: {  	s11 =	simm.s32 @!p0 $0x3;
	[sflag:s8] =	ssyncadd.s32 $0xFFFFFFD8  }
0x9e: {  	_ =	swait.ge @!p0 [sflag:s11], $0x1400  }
0x9f: {  	[sflag:s11] =	ssyncset.done @!p0 $0x0  }
0xa0: {  	s29 =	simm.s32 $0x0;
	[sflag:s11] =	ssyncadd.s32 @!p0 $0xFFFFEC00  }
0xa1: {  	v1 =	vld [tilespmem:s29+$0x1B9F0]  }
0xa2: {  	v2 =	vld [tilespmem:s29+$0x14270]  }
0xa3: {  	v3 =	vld [tilespmem:s29+$0x1B980]  }
0xa4: {  	v4 =	vld [tilespmem:s29+$0x14200]  }
0xa5: {  	v5 =	vld [tilespmem:s29+$0x1B990]  }
0xa6: {  	v6 =	vld [tilespmem:s29+$0x14210]  }
0xa7: {  	v7 =	vld [tilespmem:s29+$0x1B9A0]  }
0xa8: {  	v1 =	vadd.f32 v2, v1;
	v2 =	vld [tilespmem:s29+$0x14220]  }
0xa9: {  	v8 =	vld [tilespmem:s29+$0x1B9B0]  }
0xaa: {  	v9 =	vld [tilespmem:s29+$0x14230];
	v3 =	vadd.f32 v4, v3  }
0xab: {  	v10 =	vld [tilespmem:s29+$0x1B9C0];
	v1 =	vmax.f32 v1, $0.0e+00  }
0xac: {  	[tilespmem:s29+$0x16A70] =	vst v1;
	v1 =	vmax.f32 v3, $0.0e+00;
	v3 =	vadd.f32 v6, v5;
	v6 =	vld [tilespmem:s29+$0x14240]  }
0xad: {  	v4 =	vld [tilespmem:s29+$0x14250];
	v2 =	vadd.f32 v2, v7  }
0xae: {  	[tilespmem:s29+$0x16A00] =	vst v1;
	v1 =	vld [tilespmem:s29+$0x1B9D0];
	v3 =	vmax.f32 v3, $0.0e+00  }
0xaf: {  	s26 =	sshll.u32 s25, $0x8;
	v5 =	vld [tilespmem:s29+$0x14260];
	v7 =	vadd.f32 v9, v8;
	[tilespmem:s29+$0x16A10] =	vst v3;
	v3 =	vmax.f32 v2, $0.0e+00  }
0xb0: {  	s30 =	simm.s32 $0x80;
	s26 =	sand.u32 $0x100, s26;
	v2 =	vld [tilespmem:s29+$0x1B9E0];
	[tilespmem:s29+$0x16A20] =	vst v3  }
0xb1: {  	s31 =	sshll.u32 s25, $0x1;
	s28 =	sor.u32 $0x14000, s26;
	s11 =	simm.s32 $0x400;
	v7 =	vmax.f32 v7, $0.0e+00;
	v6 =	vadd.f32 v6, v10;
	v3 =	vld [tilespmem:s30+$0x1B9F0]  }
.LBB2_5:
0xb2: {  	p1 =	sne.s32 s11, $0x4E00;
	v8 =	vld [tilespmem:s30+$0x14270];
	[tilespmem:s29+$0x16A30] =	vst v7  }
0xb3: {  	v7 =	vld [tilespmem:s30+$0x1B980];
	v6 =	vmax.f32 v6, $0.0e+00;
	v1 =	vadd.f32 v4, v1  }
0xb4: {  	v4 =	vld [tilespmem:s30+$0x14200];
	[tilespmem:s29+$0x16A40] =	vst v6  }
0xb5: {  	v6 =	vld [tilespmem:s30+$0x1B990];
	v1 =	vmax.f32 v1, $0.0e+00;
	v2 =	vadd.f32 v5, v2  }
0xb6: {  	v5 =	vld [tilespmem:s30+$0x14210];
	[tilespmem:s29+$0x16A50] =	vst v1  }
0xb7: {  	v1 =	vld [tilespmem:s30+$0x1B9A0];
	v3 =	vadd.f32 v8, v3;
	v2 =	vmax.f32 v2, $0.0e+00  }
0xb8: {  	v8 =	vld [tilespmem:s30+$0x14220];
	[tilespmem:s29+$0x16A60] =	vst v2;
	s29 =	smov.u32 s30  }
0xb9: {  	v2 =	vadd.f32 v4, v7;
	v7 =	vld [tilespmem:s29+$0x1B9B0];
	v3 =	vmax.f32 v3, $0.0e+00  }
0xba: {  	v9 =	vld [tilespmem:s29+$0x14230];
	[tilespmem:s29+$0x16A70] =	vst v3  }
0xbb: {  	v2 =	vmax.f32 v2, $0.0e+00;
	v3 =	vadd.f32 v5, v6;
	v6 =	vld [tilespmem:s29+$0x1B9C0]  }
0xbc: {  	[tilespmem:s29+$0x16A00] =	vst v2;
	v10 =	vld [tilespmem:s29+$0x14240]  }
.Ltmp3:
0xbd: {  	v2 =	vmax.f32 v3, $0.0e+00;
	v3 =	vadd.f32 v8, v1;
	v1 =	vld [tilespmem:s29+$0x1B9D0];
	(pc) =	sbr.rel @p1 .LBB2_5-.Ltmp3, $4  }
0xbe: {  	[tilespmem:s29+$0x16A10] =	vst v2;
	v4 =	vld [tilespmem:s29+$0x14250]  }
0xbf: {  	v3 =	vmax.f32 v3, $0.0e+00;
	v7 =	vadd.f32 v9, v7;
	v2 =	vld [tilespmem:s29+$0x1B9E0]  }
0xc0: {  	s30 =	sshra.s32 s11, $0x2;
	[tilespmem:s29+$0x16A20] =	vst v3;
	v5 =	vld [tilespmem:s29+$0x14260]  }
0xc1: {  	s11 =	sadd.s32 $0x200, s11;
	v3 =	vld [tilespmem:s30+$0x1B9F0];
	v7 =	vmax.f32 v7, $0.0e+00;
	v6 =	vadd.f32 v10, v6  }
0xc2: {  	v8 =	vld [tilespmem:s30+$0x14270];
	[tilespmem:s29+$0x16A30] =	vst v7  }
0xc3: {  	v7 =	vld [tilespmem:s30+$0x1B980];
	v6 =	vmax.f32 v6, $0.0e+00;
	v1 =	vadd.f32 v4, v1  }
0xc4: {  	v9 =	vld [tilespmem:s30+$0x14200];
	[tilespmem:s29+$0x16A40] =	vst v6  }
0xc5: {  	v4 =	vld [tilespmem:s30+$0x1B990];
	v1 =	vmax.f32 v1, $0.0e+00;
	v2 =	vadd.f32 v5, v2  }
0xc6: {  	v6 =	vld [tilespmem:s30+$0x14210];
	[tilespmem:s29+$0x16A50] =	vst v1  }
0xc7: {  	v1 =	vld [tilespmem:s30+$0x1B9A0];
	v2 =	vmax.f32 v2, $0.0e+00  }
0xc8: {  	v5 =	vld [tilespmem:s30+$0x14220];
	v3 =	vadd.f32 v8, v3;
	[tilespmem:s29+$0x16A60] =	vst v2  }
0xc9: {  	v7 =	vadd.f32 v9, v7;
	v2 =	vld [tilespmem:s30+$0x1B9B0]  }
0xca: {  	v3 =	vmax.f32 v3, $0.0e+00;
	v8 =	vld [tilespmem:s30+$0x14230]  }
0xcb: {  	[tilespmem:s30+$0x16A70] =	vst v3;
	v3 =	vmax.f32 v7, $0.0e+00;
	v7 =	vld [tilespmem:s30+$0x1B9C0]  }
0xcc: {  	v4 =	vadd.f32 v6, v4;
	v6 =	vld [tilespmem:s30+$0x1B9D0]  }
0xcd: {  	[tilespmem:s30+$0x16A00] =	vst v3;
	v3 =	vld [tilespmem:s30+$0x14240];
	v1 =	vadd.f32 v5, v1  }
0xce: {  	v4 =	vmax.f32 v4, $0.0e+00;
	v5 =	vld [tilespmem:s30+$0x1B9E0]  }
0xcf: {  	[tilespmem:s30+$0x16A10] =	vst v4;
	v4 =	vld [tilespmem:s30+$0x14250];
	v1 =	vmax.f32 v1, $0.0e+00  }
0xd0: {  	[tilespmem:s30+$0x16A20] =	vst v1;
	v1 =	vld [tilespmem:s30+$0x14260];
	_ =	sdelay $0x1  }
0xd1: {  	v2 =	vadd.f32 v8, v2  }
0xd2: {  	v3 =	vadd.f32 v3, v7  }
0xd3: {  	v2 =	vmax.f32 v2, $0.0e+00;
	v4 =	vadd.f32 v4, v6  }
0xd4: {  	[tilespmem:s30+$0x16A30] =	vst v2;
	v2 =	vmax.f32 v3, $0.0e+00;
	v1 =	vadd.f32 v1, v5  }
0xd5: {  	p1 =	seq.s32 s25, $0x7C;
	[tilespmem:s30+$0x16A40] =	vst v2;
	v2 =	vmax.f32 v4, $0.0e+00  }
0xd6: {  	s11 =	sadd.s32 @!p1 $0x2, s31;
	[tilespmem:s30+$0x16A50] =	vst v2;
	v1 =	vmax.f32 v1, $0.0e+00  }
0xd7: {  	s29 =	smul.u32 @!p1 $0x28, s11;
	[tilespmem:s30+$0x16A60] =	vst v1  }
0xd8: {  	[spmem:s3] =	stream.indirect.scatter.add.f32 [tilespmem:s2], [sflag:$0x3], $0x80, s28, s5, $0xb8;
	[tilespmem:$0x1E180] =	vst v63  }
0xd9: {  	s28 =	sadd.s32 @!p1 s20, s29  }
0xda: {  	s12 =	simm.s32 @!p1 $0x0;
	s30 =	sshll.u32 @!p1 s28, $0x4  }
0xdb: {  	s16 =	simm.s32 @!p1 $0x14200;
	s11 =	sshll.u32 @!p1 s11, $0x7;
	s30 =	sadd.s32 @!p1 s15, s30  }
0xdc: {  	[tilespmem:s16], [sflag:$0x1] =	stream.linear.gather @!p1 [hbm4b:s30+s12], $0x1400, $0x38;
	[tilespmem:$0x1E180] =	vst v63  }
0xdd: {  	s16 =	sadd.s32 @!p1 $0x19200, s29;
	s29 =	simm.s32 @!p1 $0x28;
	s30 =	simm.s32 @!p1 $0x1B980  }
0xde: {  	[tilespmem:s30], [sflag:$0x1] =	stream.indirect.gather @!p1 [hbm4b:s0+s29], $0x80, s16, s29, $0xb8;
	[tilespmem:$0x1E180] =	vst v63  }
0xdf: {  	s11 =	sand.u32 @!p1 $0x100, s11;
	s16 =	sshrl.u32 @!p1 s28, $0x3  }
0xe0: {  	s11 =	sor.u32 @!p1 $0x14000, s11;
	s16 =	sadd.s32 @!p1 s14, s16  }
0xe1: {  	[tilespmem:s11], [sflag:$0x1] =	stream.linear.gather @!p1 [hbm4b:s16+s12], $0x28, $0x38;
	[tilespmem:$0x1E180] =	vst v63  }
0xe2: {  	_ =	swait.ge [sflag:s9], $0x1400  }
0xe3: {  	[sflag:s9] =	ssyncset.done $0x0  }
0xe4: {  	[sflag:s9] =	ssyncadd.s32 $0xFFFFEC00  }
0xe5: {  	_ =	swait.ge [sflag:s9], $0x1400  }
0xe6: {  	[sflag:s9] =	ssyncset.done $0x0  }
0xe7: {  	[sflag:s9] =	ssyncadd.s32 $0xFFFFEC00  }
0xe8: {  	_ =	swait.ge [sflag:s9], $0x28  }
0xe9: {  	[sflag:s9] =	ssyncset.done $0x0  }
0xea: {  	s11 =	simm.s32 @!p0 $0x4;
	[sflag:s9] =	ssyncadd.s32 $0xFFFFFFD8  }
0xeb: {  	_ =	swait.ge @!p0 [sflag:s11], $0x1400  }
0xec: {  	[sflag:s11] =	ssyncset.done @!p0 $0x0  }
0xed: {  	s28 =	simm.s32 $0x0;
	[sflag:s11] =	ssyncadd.s32 @!p0 $0xFFFFEC00  }
0xee: {  	v1 =	vld [tilespmem:s28+$0x1CDF0]  }
0xef: {  	v2 =	vld [tilespmem:s28+$0x15670]  }
0xf0: {  	v3 =	vld [tilespmem:s28+$0x1CD80]  }
0xf1: {  	v4 =	vld [tilespmem:s28+$0x15600]  }
0xf2: {  	v5 =	vld [tilespmem:s28+$0x1CD90]  }
0xf3: {  	v6 =	vld [tilespmem:s28+$0x15610]  }
0xf4: {  	v7 =	vld [tilespmem:s28+$0x1CDA0]  }
0xf5: {  	v1 =	vadd.f32 v2, v1;
	v2 =	vld [tilespmem:s28+$0x15620]  }
0xf6: {  	v8 =	vld [tilespmem:s28+$0x1CDB0]  }
0xf7: {  	v63 =	vld [tilespmem:s28+$0x15630];
	v3 =	vadd.f32 v4, v3  }
0xf8: {  	v10 =	vld [tilespmem:s28+$0x1CDC0];
	v1 =	vmax.f32 v1, $0.0e+00  }
0xf9: {  	[tilespmem:s28+$0x17E70] =	vst v1;
	v1 =	vmax.f32 v3, $0.0e+00;
	v3 =	vadd.f32 v6, v5;
	v6 =	vld [tilespmem:s28+$0x15640]  }
0xfa: {  	v4 =	vld [tilespmem:s28+$0x15650];
	v2 =	vadd.f32 v2, v7  }
0xfb: {  	[tilespmem:s28+$0x17E00] =	vst v1;
	v1 =	vld [tilespmem:s28+$0x1CDD0];
	v3 =	vmax.f32 v3, $0.0e+00  }
0xfc: {  	v5 =	vld [tilespmem:s28+$0x15660];
	v7 =	vadd.f32 v63, v8;
	[tilespmem:s28+$0x17E10] =	vst v3;
	v3 =	vmax.f32 v2, $0.0e+00  }
0xfd: {  	s29 =	simm.s32 $0x80;
	v2 =	vld [tilespmem:s28+$0x1CDE0];
	[tilespmem:s28+$0x17E20] =	vst v3  }
0xfe: {  	s26 =	sadd.s32 $0x14080, s26;
	s11 =	simm.s32 $0x400;
	v7 =	vmax.f32 v7, $0.0e+00;
	v6 =	vadd.f32 v6, v10;
	v3 =	vld [tilespmem:s29+$0x1CDF0]  }
.LBB2_7:
0xff: {  	p0 =	sne.s32 s11, $0x4E00;
	v8 =	vld [tilespmem:s29+$0x15670];
	[tilespmem:s28+$0x17E30] =	vst v7  }
0x100: {  	v7 =	vld [tilespmem:s29+$0x1CD80];
	v6 =	vmax.f32 v6, $0.0e+00;
	v1 =	vadd.f32 v4, v1  }
0x101: {  	v4 =	vld [tilespmem:s29+$0x15600];
	[tilespmem:s28+$0x17E40] =	vst v6  }
0x102: {  	v6 =	vld [tilespmem:s29+$0x1CD90];
	v1 =	vmax.f32 v1, $0.0e+00;
	v2 =	vadd.f32 v5, v2  }
0x103: {  	v5 =	vld [tilespmem:s29+$0x15610];
	[tilespmem:s28+$0x17E50] =	vst v1  }
0x104: {  	v1 =	vld [tilespmem:s29+$0x1CDA0];
	v3 =	vadd.f32 v8, v3;
	v2 =	vmax.f32 v2, $0.0e+00  }
0x105: {  	v8 =	vld [tilespmem:s29+$0x15620];
	[tilespmem:s28+$0x17E60] =	vst v2;
	s28 =	smov.u32 s29  }
0x106: {  	v2 =	vadd.f32 v4, v7;
	v7 =	vld [tilespmem:s28+$0x1CDB0];
	v3 =	vmax.f32 v3, $0.0e+00  }
0x107: {  	v9 =	vld [tilespmem:s28+$0x15630];
	[tilespmem:s28+$0x17E70] =	vst v3  }
0x108: {  	v2 =	vmax.f32 v2, $0.0e+00;
	v3 =	vadd.f32 v5, v6;
	v6 =	vld [tilespmem:s28+$0x1CDC0]  }
0x109: {  	[tilespmem:s28+$0x17E00] =	vst v2;
	v10 =	vld [tilespmem:s28+$0x15640]  }
.Ltmp4:
0x10a: {  	v2 =	vmax.f32 v3, $0.0e+00;
	v3 =	vadd.f32 v8, v1;
	v1 =	vld [tilespmem:s28+$0x1CDD0];
	(pc) =	sbr.rel @p0 .LBB2_7-.Ltmp4, $4  }
0x10b: {  	[tilespmem:s28+$0x17E10] =	vst v2;
	v4 =	vld [tilespmem:s28+$0x15650]  }
0x10c: {  	v3 =	vmax.f32 v3, $0.0e+00;
	v7 =	vadd.f32 v9, v7;
	v2 =	vld [tilespmem:s28+$0x1CDE0]  }
0x10d: {  	s29 =	sshra.s32 s11, $0x2;
	[tilespmem:s28+$0x17E20] =	vst v3;
	v5 =	vld [tilespmem:s28+$0x15660]  }
0x10e: {  	s11 =	sadd.s32 $0x200, s11;
	v3 =	vld [tilespmem:s29+$0x1CDF0];
	v7 =	vmax.f32 v7, $0.0e+00;
	v6 =	vadd.f32 v10, v6  }
0x10f: {  	v8 =	vld [tilespmem:s29+$0x15670];
	[tilespmem:s28+$0x17E30] =	vst v7  }
0x110: {  	v7 =	vld [tilespmem:s29+$0x1CD80];
	v6 =	vmax.f32 v6, $0.0e+00;
	v1 =	vadd.f32 v4, v1  }
0x111: {  	v9 =	vld [tilespmem:s29+$0x15600];
	[tilespmem:s28+$0x17E40] =	vst v6  }
0x112: {  	v57 =	vld [tilespmem:s29+$0x1CD90];
	v1 =	vmax.f32 v1, $0.0e+00;
	v2 =	vadd.f32 v5, v2  }
0x113: {  	v6 =	vld [tilespmem:s29+$0x15610];
	[tilespmem:s28+$0x17E50] =	vst v1  }
0x114: {  	v1 =	vld [tilespmem:s29+$0x1CDA0];
	v2 =	vmax.f32 v2, $0.0e+00  }
0x115: {  	v58 =	vld [tilespmem:s29+$0x15620];
	[tilespmem:s28+$0x17E60] =	vst v2  }
0x116: {  	v2 =	vld [tilespmem:s29+$0x1CDB0]  }
0x117: {  	v3 =	vadd.f32 v8, v3;
	v59 =	vld [tilespmem:s29+$0x15630]  }
0x118: {  	v7 =	vadd.f32 v9, v7;
	v60 =	vld [tilespmem:s29+$0x1CDC0]  }
0x119: {  	v3 =	vmax.f32 v3, $0.0e+00;
	v61 =	vld [tilespmem:s29+$0x1CDD0]  }
0x11a: {  	v62 =	vld [tilespmem:s29+$0x15650];
	[tilespmem:s29+$0x17E70] =	vst v3;
	v3 =	vmax.f32 v7, $0.0e+00;
	v1 =	vadd.f32 v58, v1  }
0x11b: {  	[tilespmem:s29+$0x17E00] =	vst v3;
	v3 =	vld [tilespmem:s29+$0x15640]  }
0x11c: {  	v63 =	vld [tilespmem:s29+$0x1CDE0];
	v1 =	vmax.f32 v1, $0.0e+00  }
0x11d: {  	[tilespmem:s29+$0x17E20] =	vst v1;
	v1 =	vld [tilespmem:s29+$0x15660]  }
0x11e: {  	v4 =	vadd.f32 v6, v57  }
0x11f: {  	v2 =	vadd.f32 v59, v2  }
0x120: {  	v4 =	vmax.f32 v4, $0.0e+00;
	v3 =	vadd.f32 v3, v60  }
0x121: {  	[tilespmem:s29+$0x17E10] =	vst v4;
	v4 =	vadd.f32 v62, v61;
	v2 =	vmax.f32 v2, $0.0e+00  }
.Ltmp5:
0x122: {  	[tilespmem:s29+$0x17E30] =	vst v2;
	v2 =	vmax.f32 v3, $0.0e+00;
	v1 =	vadd.f32 v1, v63;
	(pc) =	sbr.rel @p1 .LBB2_10-.Ltmp5, $4  }
0x123: {  	[tilespmem:s29+$0x17E40] =	vst v2;
	v2 =	vmax.f32 v4, $0.0e+00  }
0x124: {  	[tilespmem:s29+$0x17E50] =	vst v2;
	v1 =	vmax.f32 v1, $0.0e+00  }
0x125: {  	[tilespmem:s29+$0x17E60] =	vst v1  }
0x126: {  	[spmem:s3] =	stream.indirect.scatter.add.f32 [tilespmem:s10], [sflag:$0x4], $0x80, s26, s5, $0xb8;
	[tilespmem:$0x1E180] =	vst v63  }
0x127: {  	s11 =	sadd.s32 $0x3, s31  }
0x128: {  	s12 =	smul.u32 $0x28, s11;
	_ =	sdelay $0x1  }
0x129: {  	s16 =	sadd.s32 s20, s12  }
0x12a: {  	s26 =	sshll.u32 s16, $0x4  }
0x12b: {  	s26 =	sadd.s32 s15, s26  }
0x12c: {  	[tilespmem:s6], [sflag:$0x2] =	stream.linear.gather [hbm4b:s26+s4], $0x1400, $0x38;
	[tilespmem:$0x1E180] =	vst v63  }
.Ltmp6:
0x12d: {  	s11 =	sshll.u32 s11, $0x7;
	(pc) =	sbr.rel .LBB2_4-.Ltmp6, $4  }
0x12e: {  	s11 =	sand.u32 $0x180, s11;
	s12 =	sadd.s32 $0x19200, s12;
	s31 =	sshrl.u32 s16, $0x3  }
0x12f: {  	[tilespmem:s7], [sflag:$0x2] =	stream.indirect.gather [hbm4b:s0+s5], $0x80, s12, s5, $0xb8;
	[tilespmem:$0x1E180] =	vst v63  }
0x130: {  	s25 =	sadd.s32 $0x1, s25;
	s11 =	sor.u32 $0x14000, s11;
	s12 =	sadd.s32 s14, s31  }
0x131: {  	[tilespmem:s11], [sflag:$0x2] =	stream.linear.gather [hbm4b:s12+s4], $0x28, $0x38;
	[tilespmem:$0x1E180] =	vst v63  }
.LBB2_11:
0x132: {  	_ =	sfence.sel $0x180000  }
0x133: {  	[bflag:$0x0] =	sbarrier.arrive $0xFFFF  }
0x134: {  	_ =	strace $0x90000047  }
0x135: {  	s0 =	stileid.u32;
	[bflag:$0x2] =	sbarrier.arrive $0xFFFF  }
0x136: {  	p0 =	sne.s32 s0, $0x0;
	s0 =	rddreg [dreg:$0x4]  }
0x137: {  	s0 =	sadd.s32 @!p0 $0x100000, s0  }
0x138: {  	[sflag:s0] =	ssyncadd.tile.s32 @!p0 $0x1;
	_ =	shalt  }
.Lfunc_end2:
_tile_overlayer_lowered:
.L_overlay_start_2:
0x139: {  	(tag) =	ssettag $0x2  }
0x13a: {  	s0 =	rddreg [dreg:$0x0];
	s2 =	stileid.u32  }
0x13b: {  	s1 =	rddreg [dreg:$0x1];
	p0 =	sne.s32 s2, $0x0  }
0x13c: {  	s3 =	rddreg [dreg:$0x2];
	[bflag:$0x3] =	sbarrier.arrive $0xFFFF;
	s2 =	simm.s32 @!p0 $0x1C05  }
0x13d: {  	[timem:s3], [sflag:s2] =	dma.local @!p0 [hbm:s0], s1  }
0x13e: {  	s0 =	simm.s32 @!p0 $0x5  }
0x13f: {  	_ =	swait.ge @!p0 [sflag:s0], s1  }
0x140: {  	s1 =	ssub.s32 @!p0 $0x0, s1;
	[sflag:s0] =	ssyncset.done @!p0 $0x0  }
0x141: {  	[sflag:s0] =	ssyncadd.s32 @!p0 s1  }
0x142: {  	[bflag:$0x3] =	sbarrier.arrive $0xFFFF  }
0x143: {  	_ =	shalt  }

</sc_bundles>
